<compile_context>
chip_gen: v7x
topology: tpu7x:2x2x1
jax: 0.10.2.dev20260603
libtpu: 0.0.44.dev20260713+nightly
codegen_flags: <defaults>
</compile_context>

<pallas_src>
import functools

import jax
import jax.numpy as jnp
from jax import lax
from jax.experimental import pallas as pl
from jax.experimental.pallas import tpu as pltpu
from jax.experimental.pallas import tpu_sc as plsc

B, N, C = 64, 1024, 192
K = N // 4
NT = N + 1
JC = 128


def _rank_body(x_ref, ea_ref, idx_ref):
    b = pl.program_id(0)
    nodes = x_ref[0, 1:, :]
    ea = ea_ref[0]
    m = jnp.sum(ea, axis=0, keepdims=True) * (1.0 / N)
    ci = jax.nn.sigmoid(m)
    scores = jnp.dot(nodes, jnp.reshape(ci, (C, 1)),
                     preferred_element_type=jnp.float32)
    s_row = jnp.reshape(scores, (1, N))

    jj0 = lax.broadcasted_iota(jnp.int32, (JC, N), 0)
    ii = lax.broadcasted_iota(jnp.int32, (JC, N), 1)

    rank_row = jnp.zeros((1, N), jnp.int32)
    for jc in range(N // JC):
        s_col = scores[jc * JC:(jc + 1) * JC, :]
        jj = jj0 + (jc * JC)
        before = (s_col < s_row) | ((s_col == s_row) & (jj < ii))
        rank_row = rank_row + jnp.sum(before.astype(jnp.int32), axis=0,
                                      keepdims=True)
    ranks = jnp.reshape(rank_row, (N, 1))

    p_iota = lax.broadcasted_iota(jnp.int32, (N, K), 1) + (N - K)
    ivals = lax.broadcasted_iota(jnp.int32, (N, 1), 0) + (b * NT + 1)
    idx_row = jnp.sum(jnp.where(ranks == p_iota, ivals, 0), axis=0,
                      keepdims=True)
    idx_ref[0] = idx_row


_mesh = plsc.VectorSubcoreMesh(core_axis_name="c", subcore_axis_name="s")


@functools.partial(
    pl.kernel,
    out_type=jax.ShapeDtypeStruct((B, K + 1, C), jnp.float32),
    mesh=_mesh,
    scratch_types=[
        pltpu.VMEM((K,), jnp.int32),
        pltpu.VMEM((K, C), jnp.float32),
        pltpu.VMEM((1, C), jnp.float32),
        pltpu.SemaphoreType.DMA,
    ],
    compiler_params=pltpu.CompilerParams(use_tc_tiling_on_sc=False),
)
def _sc_gather(xflat, idx_hbm, out_hbm, idx_v, rows_v, cls_v, sem):
    wid = lax.axis_index("s") * 2 + lax.axis_index("c")
    for j in range(2):
        b = wid * 2 + j
        pltpu.sync_copy(idx_hbm.at[b], idx_v)
        cp0 = pltpu.async_copy(xflat.at[idx_v.at[pl.ds(0, 128)]],
                               rows_v.at[pl.ds(0, 128)], sem)
        cp1 = pltpu.async_copy(xflat.at[idx_v.at[pl.ds(128, 128)]],
                               rows_v.at[pl.ds(128, 128)], sem)
        pltpu.sync_copy(xflat.at[pl.ds(b * NT, 1)], cls_v)
        pltpu.sync_copy(cls_v, out_hbm.at[b, pl.ds(0, 1)])
        cp0.wait()
        cp1.wait()
        pltpu.sync_copy(rows_v, out_hbm.at[b, pl.ds(1, K)])


@jax.jit
def kernel(x, edge_aggregation):
    idx = pl.pallas_call(
        _rank_body,
        grid=(B,),
        in_specs=[
            pl.BlockSpec((1, NT, C), lambda b: (b, 0, 0)),
            pl.BlockSpec((1, N, C), lambda b: (b, 0, 0)),
        ],
        out_specs=pl.BlockSpec((1, 1, K), lambda b: (b, 0, 0)),
        out_shape=jax.ShapeDtypeStruct((B, 1, K), jnp.int32),
    )(x, edge_aggregation)
    xflat = jnp.reshape(x, (B * NT, C))
    return _sc_gather(xflat, jnp.reshape(idx, (B, K)))

# --- scband reference (transcript-rebuilt; emitter-appended) ---
"""Pipeline reference for scband-pooling-block-6493990551773 (READ-ONLY COPY).

The authoritative reference and input builder live on the scoring server;
editing this copy changes nothing except your own understanding.
"""

import jax, jax.numpy as jnp
import numpy as np


def setup_inputs(seed: int = 0) -> dict:
    key = jax.random.key(seed)
    k1, k2 = jax.random.split(key)
    x = jax.random.normal(k1, (64, 1025, 192), dtype=jnp.float32)
    edge_aggregation = jax.random.normal(k2, (64, 1024, 192), dtype=jnp.float32)
    return {"x": x, "edge_aggregation": edge_aggregation}


def reference(x, edge_aggregation):
    # x: (B, HW+1, C); edge_aggregation: (B, HW, C)
    nodes = x[:, 1:]  # (B, HW, C)
    # AvgPool1d over the full token dimension (kernel = HW) -> mean over axis 1
    ea = jnp.mean(edge_aggregation, axis=1, keepdims=True)  # (B, 1, C)
    channel_importance = jax.nn.sigmoid(ea)  # (B, 1, C)
    # (B, HW, C) @ (B, C, 1) -> (B, HW, 1)
    channel_aggregation = jnp.matmul(nodes, jnp.transpose(channel_importance, (0, 2, 1)))
    # ascending sort indices along token dim (matches torch.sort default)
    idx = jnp.argsort(channel_aggregation[..., 0], axis=1)  # (B, HW)
    nodes_sorted = jnp.take_along_axis(nodes, idx[:, :, None], axis=1)  # (B, HW, C)
    HW = nodes_sorted.shape[1]
    nodes_pooled = nodes_sorted[:, HW // 4 * 3:]  # keep top quarter (largest scores)
    out = jnp.concatenate([x[:, 0:1], nodes_pooled], axis=1)  # (B, 1 + HW//4, C)
    return out

if __name__ == "__main__":
    import jax
    _d = setup_inputs()
    print(jax.jit(kernel)(*tuple(_d.values())))

</pallas_src>

<mosaic_0001>
#map = affine_map<(d0, d1) -> (0, 0)>
#map1 = affine_map<(d0, d1) -> (0, 0, 0)>
module attributes {stable_mosaic.version = 14 : i64} {
  func.func @_sc_gather(%arg0: i32, %arg1: i32, %arg2: memref<65600x192xf32, #tpu.memory_space<hbm>>, %arg3: memref<64x256xi32, #tpu.memory_space<hbm>>, %arg4: memref<64x257x192xf32, #tpu.memory_space<hbm>>, %arg5: memref<256xi32, #tpu.memory_space<vmem>>, %arg6: memref<256x192xf32, #tpu.memory_space<vmem>>, %arg7: memref<1x192xf32, #tpu.memory_space<vmem>>, %arg8: memref<!tpu.dma_semaphore, #tpu.memory_space<semaphore_mem>>) attributes {dimension_semantics = [#tpu.dimension_semantics<core_parallel>, #tpu.dimension_semantics<subcore_parallel>], iteration_bounds = array<i64: 2, 16>, scalar_prefetch = 0 : i64, scratch_operands = 4 : i64, tpu.core_type = #tpu.core_type<sc_vector_subcore>, window_params = [{transform_indices = #map}, {transform_indices = #map}, {transform_indices = #map1}]} {
    %mul3A = arith.constant 2 : i32
    %mul3A_0 = arith.muli %arg1, %mul3A : i32
    %add3A = arith.addi %mul3A_0, %arg0 : i32
    %mul3A_1 = arith.constant 2 : i32
    %mul3A_2 = arith.muli %add3A, %mul3A_1 : i32
    %add3A_3 = arith.constant 0 : i32
    %add3A_4 = arith.addi %mul3A_2, %add3A_3 : i32
    "tpu.region"() ({
      %run_scoped3A = tpu.sem_alloc : memref<!tpu.dma_semaphore, #tpu.memory_space<semaphore_mem>>
      %dma_start3A_75 = arith.constant 0 : i32
      %dma_start3A_76 = tpu.memref_slice %arg3[%add3A_4, %dma_start3A_75] : memref<64x256xi32, #tpu.memory_space<hbm>> -> memref<1x256xi32, #tpu.memory_space<hbm>>
      %dma_start3A_77 = tpu.memref_squeeze %dma_start3A_76 : memref<1x256xi32, #tpu.memory_space<hbm>> -> memref<256xi32, #tpu.memory_space<hbm>>
      %dma_start3A_78 = arith.constant 0 : i32
      %dma_start3A_79 = tpu.memref_slice %arg3[%add3A_4, %dma_start3A_78] : memref<64x256xi32, #tpu.memory_space<hbm>> -> memref<1x256xi32, #tpu.memory_space<hbm>>
      %dma_start3A_80 = tpu.memref_squeeze %dma_start3A_79 : memref<1x256xi32, #tpu.memory_space<hbm>> -> memref<256xi32, #tpu.memory_space<hbm>>
      tpu.enqueue_dma source(%dma_start3A_80 : memref<256xi32, #tpu.memory_space<hbm>>) target(%arg5 : memref<256xi32, #tpu.memory_space<vmem>>) target_semaphore(%run_scoped3A : memref<!tpu.dma_semaphore, #tpu.memory_space<semaphore_mem>>)
      %dma_wait3A_81 = arith.constant 0 : i32
      %dma_wait3A_82 = tpu.memref_slice %arg3[%add3A_4, %dma_wait3A_81] : memref<64x256xi32, #tpu.memory_space<hbm>> -> memref<1x256xi32, #tpu.memory_space<hbm>>
      %dma_wait3A_83 = tpu.memref_squeeze %dma_wait3A_82 : memref<1x256xi32, #tpu.memory_space<hbm>> -> memref<256xi32, #tpu.memory_space<hbm>>
      %dma_wait3A_84 = arith.constant 0 : i32
      %dma_wait3A_85 = tpu.memref_slice %arg3[%add3A_4, %dma_wait3A_84] : memref<64x256xi32, #tpu.memory_space<hbm>> -> memref<1x256xi32, #tpu.memory_space<hbm>>
      %dma_wait3A_86 = tpu.memref_squeeze %dma_wait3A_85 : memref<1x256xi32, #tpu.memory_space<hbm>> -> memref<256xi32, #tpu.memory_space<hbm>>
      tpu.wait_dma2 semaphore(%run_scoped3A : memref<!tpu.dma_semaphore, #tpu.memory_space<semaphore_mem>>) src(%dma_wait3A_86 : memref<256xi32, #tpu.memory_space<hbm>>) dst(%arg5 : memref<256xi32, #tpu.memory_space<vmem>>)
      tpu.yield
    }) : () -> ()
    %dma_start3A = arith.constant 0 : i32
    %dma_start3A_5 = arith.constant 0 : i32
    %dma_start3A_6 = tpu.memref_slice %arg6[%dma_start3A, %dma_start3A_5] : memref<256x192xf32, #tpu.memory_space<vmem>> -> memref<128x192xf32, #tpu.memory_space<vmem>>
    %dma_start3A_7 = arith.constant 0 : i32
    %dma_start3A_8 = tpu.memref_slice %arg5[%dma_start3A_7] : memref<256xi32, #tpu.memory_space<vmem>> -> memref<128xi32, #tpu.memory_space<vmem>>
    %dma_start3A_9 = arith.constant 0 : i32
    %dma_start3A_10 = arith.constant 0 : i32
    %dma_start3A_11 = tpu.memref_slice %arg2[%dma_start3A_9, %dma_start3A_10] : memref<65600x192xf32, #tpu.memory_space<hbm>> -> memref<65600x192xf32, #tpu.memory_space<hbm>>
    tpu.enqueue_indirect_dma source(%dma_start3A_11 : memref<65600x192xf32, #tpu.memory_space<hbm>>) target(%dma_start3A_6 : memref<128x192xf32, #tpu.memory_space<vmem>>) offsets(%dma_start3A_8 : memref<128xi32, #tpu.memory_space<vmem>>) semaphore(%arg8 : memref<!tpu.dma_semaphore, #tpu.memory_space<semaphore_mem>>)
    %dma_start3A_12 = arith.constant 128 : i32
    %dma_start3A_13 = arith.constant 0 : i32
    %dma_start3A_14 = tpu.memref_slice %arg6[%dma_start3A_12, %dma_start3A_13] : memref<256x192xf32, #tpu.memory_space<vmem>> -> memref<128x192xf32, #tpu.memory_space<vmem>>
    %dma_start3A_15 = arith.constant 128 : i32
    %dma_start3A_16 = tpu.memref_slice %arg5[%dma_start3A_15] : memref<256xi32, #tpu.memory_space<vmem>> -> memref<128xi32, #tpu.memory_space<vmem>>
    %dma_start3A_17 = arith.constant 0 : i32
    %dma_start3A_18 = arith.constant 0 : i32
    %dma_start3A_19 = tpu.memref_slice %arg2[%dma_start3A_17, %dma_start3A_18] : memref<65600x192xf32, #tpu.memory_space<hbm>> -> memref<65600x192xf32, #tpu.memory_space<hbm>>
    tpu.enqueue_indirect_dma source(%dma_start3A_19 : memref<65600x192xf32, #tpu.memory_space<hbm>>) target(%dma_start3A_14 : memref<128x192xf32, #tpu.memory_space<vmem>>) offsets(%dma_start3A_16 : memref<128xi32, #tpu.memory_space<vmem>>) semaphore(%arg8 : memref<!tpu.dma_semaphore, #tpu.memory_space<semaphore_mem>>)
    %mul3A_20 = arith.constant 1025 : i32
    %mul3A_21 = arith.muli %add3A_4, %mul3A_20 : i32
    "tpu.region"() ({
      %run_scoped3A = tpu.sem_alloc : memref<!tpu.dma_semaphore, #tpu.memory_space<semaphore_mem>>
      %dma_start3A_75 = arith.constant 0 : i32
      %dma_start3A_76 = tpu.memref_slice %arg2[%mul3A_21, %dma_start3A_75] : memref<65600x192xf32, #tpu.memory_space<hbm>> -> memref<1x192xf32, #tpu.memory_space<hbm>>
      %dma_start3A_77 = arith.constant 0 : i32
      %dma_start3A_78 = tpu.memref_slice %arg2[%mul3A_21, %dma_start3A_77] : memref<65600x192xf32, #tpu.memory_space<hbm>> -> memref<1x192xf32, #tpu.memory_space<hbm>>
      tpu.enqueue_dma source(%dma_start3A_78 : memref<1x192xf32, #tpu.memory_space<hbm>>) target(%arg7 : memref<1x192xf32, #tpu.memory_space<vmem>>) target_semaphore(%run_scoped3A : memref<!tpu.dma_semaphore, #tpu.memory_space<semaphore_mem>>)
      %dma_wait3A_79 = arith.constant 0 : i32
      %dma_wait3A_80 = tpu.memref_slice %arg2[%mul3A_21, %dma_wait3A_79] : memref<65600x192xf32, #tpu.memory_space<hbm>> -> memref<1x192xf32, #tpu.memory_space<hbm>>
      %dma_wait3A_81 = arith.constant 0 : i32
      %dma_wait3A_82 = tpu.memref_slice %arg2[%mul3A_21, %dma_wait3A_81] : memref<65600x192xf32, #tpu.memory_space<hbm>> -> memref<1x192xf32, #tpu.memory_space<hbm>>
      tpu.wait_dma2 semaphore(%run_scoped3A : memref<!tpu.dma_semaphore, #tpu.memory_space<semaphore_mem>>) src(%dma_wait3A_82 : memref<1x192xf32, #tpu.memory_space<hbm>>) dst(%arg7 : memref<1x192xf32, #tpu.memory_space<vmem>>)
      tpu.yield
    }) : () -> ()
    "tpu.region"() ({
      %run_scoped3A = tpu.sem_alloc : memref<!tpu.dma_semaphore, #tpu.memory_space<semaphore_mem>>
      %dma_start3A_75 = arith.constant 0 : i32
      %dma_start3A_76 = arith.constant 0 : i32
      %dma_start3A_77 = tpu.memref_slice %arg4[%add3A_4, %dma_start3A_75, %dma_start3A_76] : memref<64x257x192xf32, #tpu.memory_space<hbm>> -> memref<1x1x192xf32, #tpu.memory_space<hbm>>
      %dma_start3A_78 = tpu.memref_squeeze %dma_start3A_77 : memref<1x1x192xf32, #tpu.memory_space<hbm>> -> memref<1x192xf32, #tpu.memory_space<hbm>>
      %dma_start3A_79 = arith.constant 0 : i32
      %dma_start3A_80 = arith.constant 0 : i32
      %dma_start3A_81 = tpu.memref_slice %arg4[%add3A_4, %dma_start3A_79, %dma_start3A_80] : memref<64x257x192xf32, #tpu.memory_space<hbm>> -> memref<1x1x192xf32, #tpu.memory_space<hbm>>
      %dma_start3A_82 = tpu.memref_squeeze %dma_start3A_81 : memref<1x1x192xf32, #tpu.memory_space<hbm>> -> memref<1x192xf32, #tpu.memory_space<hbm>>
      tpu.enqueue_dma source(%arg7 : memref<1x192xf32, #tpu.memory_space<vmem>>) target(%dma_start3A_82 : memref<1x192xf32, #tpu.memory_space<hbm>>) target_semaphore(%run_scoped3A : memref<!tpu.dma_semaphore, #tpu.memory_space<semaphore_mem>>)
      %dma_wait3A_83 = arith.constant 0 : i32
      %dma_wait3A_84 = arith.constant 0 : i32
      %dma_wait3A_85 = tpu.memref_slice %arg4[%add3A_4, %dma_wait3A_83, %dma_wait3A_84] : memref<64x257x192xf32, #tpu.memory_space<hbm>> -> memref<1x1x192xf32, #tpu.memory_space<hbm>>
      %dma_wait3A_86 = tpu.memref_squeeze %dma_wait3A_85 : memref<1x1x192xf32, #tpu.memory_space<hbm>> -> memref<1x192xf32, #tpu.memory_space<hbm>>
      %dma_wait3A_87 = arith.constant 0 : i32
      %dma_wait3A_88 = arith.constant 0 : i32
      %dma_wait3A_89 = tpu.memref_slice %arg4[%add3A_4, %dma_wait3A_87, %dma_wait3A_88] : memref<64x257x192xf32, #tpu.memory_space<hbm>> -> memref<1x1x192xf32, #tpu.memory_space<hbm>>
      %dma_wait3A_90 = tpu.memref_squeeze %dma_wait3A_89 : memref<1x1x192xf32, #tpu.memory_space<hbm>> -> memref<1x192xf32, #tpu.memory_space<hbm>>
      tpu.wait_dma2 semaphore(%run_scoped3A : memref<!tpu.dma_semaphore, #tpu.memory_space<semaphore_mem>>) src(%arg7 : memref<1x192xf32, #tpu.memory_space<vmem>>) dst(%dma_wait3A_90 : memref<1x192xf32, #tpu.memory_space<hbm>>)
      tpu.yield
    }) : () -> ()
    %dma_wait3A = arith.constant 0 : i32
    %dma_wait3A_22 = arith.constant 0 : i32
    %dma_wait3A_23 = tpu.memref_slice %arg6[%dma_wait3A, %dma_wait3A_22] : memref<256x192xf32, #tpu.memory_space<vmem>> -> memref<128x192xf32, #tpu.memory_space<vmem>>
    %dma_wait3A_24 = arith.constant 0 : i32
    %dma_wait3A_25 = tpu.memref_slice %arg5[%dma_wait3A_24] : memref<256xi32, #tpu.memory_space<vmem>> -> memref<128xi32, #tpu.memory_space<vmem>>
    %dma_wait3A_26 = arith.constant 0 : i32
    %dma_wait3A_27 = arith.constant 0 : i32
    %dma_wait3A_28 = tpu.memref_slice %arg2[%dma_wait3A_26, %dma_wait3A_27] : memref<65600x192xf32, #tpu.memory_space<hbm>> -> memref<65600x192xf32, #tpu.memory_space<hbm>>
    tpu.wait_indirect_dma semaphore(%arg8 : memref<!tpu.dma_semaphore, #tpu.memory_space<semaphore_mem>>) src(%dma_wait3A_28 : memref<65600x192xf32, #tpu.memory_space<hbm>>) dst(%dma_wait3A_23 : memref<128x192xf32, #tpu.memory_space<vmem>>)
    %dma_wait3A_29 = arith.constant 128 : i32
    %dma_wait3A_30 = arith.constant 0 : i32
    %dma_wait3A_31 = tpu.memref_slice %arg6[%dma_wait3A_29, %dma_wait3A_30] : memref<256x192xf32, #tpu.memory_space<vmem>> -> memref<128x192xf32, #tpu.memory_space<vmem>>
    %dma_wait3A_32 = arith.constant 128 : i32
    %dma_wait3A_33 = tpu.memref_slice %arg5[%dma_wait3A_32] : memref<256xi32, #tpu.memory_space<vmem>> -> memref<128xi32, #tpu.memory_space<vmem>>
    %dma_wait3A_34 = arith.constant 0 : i32
    %dma_wait3A_35 = arith.constant 0 : i32
    %dma_wait3A_36 = tpu.memref_slice %arg2[%dma_wait3A_34, %dma_wait3A_35] : memref<65600x192xf32, #tpu.memory_space<hbm>> -> memref<65600x192xf32, #tpu.memory_space<hbm>>
    tpu.wait_indirect_dma semaphore(%arg8 : memref<!tpu.dma_semaphore, #tpu.memory_space<semaphore_mem>>) src(%dma_wait3A_36 : memref<65600x192xf32, #tpu.memory_space<hbm>>) dst(%dma_wait3A_31 : memref<128x192xf32, #tpu.memory_space<vmem>>)
    "tpu.region"() ({
      %run_scoped3A = tpu.sem_alloc : memref<!tpu.dma_semaphore, #tpu.memory_space<semaphore_mem>>
      %dma_start3A_75 = arith.constant 1 : i32
      %dma_start3A_76 = arith.constant 0 : i32
      %dma_start3A_77 = tpu.memref_slice %arg4[%add3A_4, %dma_start3A_75, %dma_start3A_76] : memref<64x257x192xf32, #tpu.memory_space<hbm>> -> memref<1x256x192xf32, #tpu.memory_space<hbm>>
      %dma_start3A_78 = tpu.memref_squeeze %dma_start3A_77 : memref<1x256x192xf32, #tpu.memory_space<hbm>> -> memref<256x192xf32, #tpu.memory_space<hbm>>
      %dma_start3A_79 = arith.constant 1 : i32
      %dma_start3A_80 = arith.constant 0 : i32
      %dma_start3A_81 = tpu.memref_slice %arg4[%add3A_4, %dma_start3A_79, %dma_start3A_80] : memref<64x257x192xf32, #tpu.memory_space<hbm>> -> memref<1x256x192xf32, #tpu.memory_space<hbm>>
      %dma_start3A_82 = tpu.memref_squeeze %dma_start3A_81 : memref<1x256x192xf32, #tpu.memory_space<hbm>> -> memref<256x192xf32, #tpu.memory_space<hbm>>
      tpu.enqueue_dma source(%arg6 : memref<256x192xf32, #tpu.memory_space<vmem>>) target(%dma_start3A_82 : memref<256x192xf32, #tpu.memory_space<hbm>>) target_semaphore(%run_scoped3A : memref<!tpu.dma_semaphore, #tpu.memory_space<semaphore_mem>>)
      %dma_wait3A_83 = arith.constant 1 : i32
      %dma_wait3A_84 = arith.constant 0 : i32
      %dma_wait3A_85 = tpu.memref_slice %arg4[%add3A_4, %dma_wait3A_83, %dma_wait3A_84] : memref<64x257x192xf32, #tpu.memory_space<hbm>> -> memref<1x256x192xf32, #tpu.memory_space<hbm>>
      %dma_wait3A_86 = tpu.memref_squeeze %dma_wait3A_85 : memref<1x256x192xf32, #tpu.memory_space<hbm>> -> memref<256x192xf32, #tpu.memory_space<hbm>>
      %dma_wait3A_87 = arith.constant 1 : i32
      %dma_wait3A_88 = arith.constant 0 : i32
      %dma_wait3A_89 = tpu.memref_slice %arg4[%add3A_4, %dma_wait3A_87, %dma_wait3A_88] : memref<64x257x192xf32, #tpu.memory_space<hbm>> -> memref<1x256x192xf32, #tpu.memory_space<hbm>>
      %dma_wait3A_90 = tpu.memref_squeeze %dma_wait3A_89 : memref<1x256x192xf32, #tpu.memory_space<hbm>> -> memref<256x192xf32, #tpu.memory_space<hbm>>
      tpu.wait_dma2 semaphore(%run_scoped3A : memref<!tpu.dma_semaphore, #tpu.memory_space<semaphore_mem>>) src(%arg6 : memref<256x192xf32, #tpu.memory_space<vmem>>) dst(%dma_wait3A_90 : memref<256x192xf32, #tpu.memory_space<hbm>>)
      tpu.yield
    }) : () -> ()
    %mul3A_37 = arith.constant 2 : i32
    %mul3A_38 = arith.muli %add3A, %mul3A_37 : i32
    %add3A_39 = arith.constant 1 : i32
    %add3A_40 = arith.addi %mul3A_38, %add3A_39 : i32
    "tpu.region"() ({
      %run_scoped3A = tpu.sem_alloc : memref<!tpu.dma_semaphore, #tpu.memory_space<semaphore_mem>>
      %dma_start3A_75 = arith.constant 0 : i32
      %dma_start3A_76 = tpu.memref_slice %arg3[%add3A_40, %dma_start3A_75] : memref<64x256xi32, #tpu.memory_space<hbm>> -> memref<1x256xi32, #tpu.memory_space<hbm>>
      %dma_start3A_77 = tpu.memref_squeeze %dma_start3A_76 : memref<1x256xi32, #tpu.memory_space<hbm>> -> memref<256xi32, #tpu.memory_space<hbm>>
      %dma_start3A_78 = arith.constant 0 : i32
      %dma_start3A_79 = tpu.memref_slice %arg3[%add3A_40, %dma_start3A_78] : memref<64x256xi32, #tpu.memory_space<hbm>> -> memref<1x256xi32, #tpu.memory_space<hbm>>
      %dma_start3A_80 = tpu.memref_squeeze %dma_start3A_79 : memref<1x256xi32, #tpu.memory_space<hbm>> -> memref<256xi32, #tpu.memory_space<hbm>>
      tpu.enqueue_dma source(%dma_start3A_80 : memref<256xi32, #tpu.memory_space<hbm>>) target(%arg5 : memref<256xi32, #tpu.memory_space<vmem>>) target_semaphore(%run_scoped3A : memref<!tpu.dma_semaphore, #tpu.memory_space<semaphore_mem>>)
      %dma_wait3A_81 = arith.constant 0 : i32
      %dma_wait3A_82 = tpu.memref_slice %arg3[%add3A_40, %dma_wait3A_81] : memref<64x256xi32, #tpu.memory_space<hbm>> -> memref<1x256xi32, #tpu.memory_space<hbm>>
      %dma_wait3A_83 = tpu.memref_squeeze %dma_wait3A_82 : memref<1x256xi32, #tpu.memory_space<hbm>> -> memref<256xi32, #tpu.memory_space<hbm>>
      %dma_wait3A_84 = arith.constant 0 : i32
      %dma_wait3A_85 = tpu.memref_slice %arg3[%add3A_40, %dma_wait3A_84] : memref<64x256xi32, #tpu.memory_space<hbm>> -> memref<1x256xi32, #tpu.memory_space<hbm>>
      %dma_wait3A_86 = tpu.memref_squeeze %dma_wait3A_85 : memref<1x256xi32, #tpu.memory_space<hbm>> -> memref<256xi32, #tpu.memory_space<hbm>>
      tpu.wait_dma2 semaphore(%run_scoped3A : memref<!tpu.dma_semaphore, #tpu.memory_space<semaphore_mem>>) src(%dma_wait3A_86 : memref<256xi32, #tpu.memory_space<hbm>>) dst(%arg5 : memref<256xi32, #tpu.memory_space<vmem>>)
      tpu.yield
    }) : () -> ()
    %dma_start3A_41 = arith.constant 0 : i32
    %dma_start3A_42 = arith.constant 0 : i32
    %dma_start3A_43 = tpu.memref_slice %arg6[%dma_start3A_41, %dma_start3A_42] : memref<256x192xf32, #tpu.memory_space<vmem>> -> memref<128x192xf32, #tpu.memory_space<vmem>>
    %dma_start3A_44 = arith.constant 0 : i32
    %dma_start3A_45 = tpu.memref_slice %arg5[%dma_start3A_44] : memref<256xi32, #tpu.memory_space<vmem>> -> memref<128xi32, #tpu.memory_space<vmem>>
    %dma_start3A_46 = arith.constant 0 : i32
    %dma_start3A_47 = arith.constant 0 : i32
    %dma_start3A_48 = tpu.memref_slice %arg2[%dma_start3A_46, %dma_start3A_47] : memref<65600x192xf32, #tpu.memory_space<hbm>> -> memref<65600x192xf32, #tpu.memory_space<hbm>>
    tpu.enqueue_indirect_dma source(%dma_start3A_48 : memref<65600x192xf32, #tpu.memory_space<hbm>>) target(%dma_start3A_43 : memref<128x192xf32, #tpu.memory_space<vmem>>) offsets(%dma_start3A_45 : memref<128xi32, #tpu.memory_space<vmem>>) semaphore(%arg8 : memref<!tpu.dma_semaphore, #tpu.memory_space<semaphore_mem>>)
    %dma_start3A_49 = arith.constant 128 : i32
    %dma_start3A_50 = arith.constant 0 : i32
    %dma_start3A_51 = tpu.memref_slice %arg6[%dma_start3A_49, %dma_start3A_50] : memref<256x192xf32, #tpu.memory_space<vmem>> -> memref<128x192xf32, #tpu.memory_space<vmem>>
    %dma_start3A_52 = arith.constant 128 : i32
    %dma_start3A_53 = tpu.memref_slice %arg5[%dma_start3A_52] : memref<256xi32, #tpu.memory_space<vmem>> -> memref<128xi32, #tpu.memory_space<vmem>>
    %dma_start3A_54 = arith.constant 0 : i32
    %dma_start3A_55 = arith.constant 0 : i32
    %dma_start3A_56 = tpu.memref_slice %arg2[%dma_start3A_54, %dma_start3A_55] : memref<65600x192xf32, #tpu.memory_space<hbm>> -> memref<65600x192xf32, #tpu.memory_space<hbm>>
    tpu.enqueue_indirect_dma source(%dma_start3A_56 : memref<65600x192xf32, #tpu.memory_space<hbm>>) target(%dma_start3A_51 : memref<128x192xf32, #tpu.memory_space<vmem>>) offsets(%dma_start3A_53 : memref<128xi32, #tpu.memory_space<vmem>>) semaphore(%arg8 : memref<!tpu.dma_semaphore, #tpu.memory_space<semaphore_mem>>)
    %mul3A_57 = arith.constant 1025 : i32
    %mul3A_58 = arith.muli %add3A_40, %mul3A_57 : i32
    "tpu.region"() ({
      %run_scoped3A = tpu.sem_alloc : memref<!tpu.dma_semaphore, #tpu.memory_space<semaphore_mem>>
      %dma_start3A_75 = arith.constant 0 : i32
      %dma_start3A_76 = tpu.memref_slice %arg2[%mul3A_58, %dma_start3A_75] : memref<65600x192xf32, #tpu.memory_space<hbm>> -> memref<1x192xf32, #tpu.memory_space<hbm>>
      %dma_start3A_77 = arith.constant 0 : i32
      %dma_start3A_78 = tpu.memref_slice %arg2[%mul3A_58, %dma_start3A_77] : memref<65600x192xf32, #tpu.memory_space<hbm>> -> memref<1x192xf32, #tpu.memory_space<hbm>>
      tpu.enqueue_dma source(%dma_start3A_78 : memref<1x192xf32, #tpu.memory_space<hbm>>) target(%arg7 : memref<1x192xf32, #tpu.memory_space<vmem>>) target_semaphore(%run_scoped3A : memref<!tpu.dma_semaphore, #tpu.memory_space<semaphore_mem>>)
      %dma_wait3A_79 = arith.constant 0 : i32
      %dma_wait3A_80 = tpu.memref_slice %arg2[%mul3A_58, %dma_wait3A_79] : memref<65600x192xf32, #tpu.memory_space<hbm>> -> memref<1x192xf32, #tpu.memory_space<hbm>>
      %dma_wait3A_81 = arith.constant 0 : i32
      %dma_wait3A_82 = tpu.memref_slice %arg2[%mul3A_58, %dma_wait3A_81] : memref<65600x192xf32, #tpu.memory_space<hbm>> -> memref<1x192xf32, #tpu.memory_space<hbm>>
      tpu.wait_dma2 semaphore(%run_scoped3A : memref<!tpu.dma_semaphore, #tpu.memory_space<semaphore_mem>>) src(%dma_wait3A_82 : memref<1x192xf32, #tpu.memory_space<hbm>>) dst(%arg7 : memref<1x192xf32, #tpu.memory_space<vmem>>)
      tpu.yield
    }) : () -> ()
    "tpu.region"() ({
      %run_scoped3A = tpu.sem_alloc : memref<!tpu.dma_semaphore, #tpu.memory_space<semaphore_mem>>
      %dma_start3A_75 = arith.constant 0 : i32
      %dma_start3A_76 = arith.constant 0 : i32
      %dma_start3A_77 = tpu.memref_slice %arg4[%add3A_40, %dma_start3A_75, %dma_start3A_76] : memref<64x257x192xf32, #tpu.memory_space<hbm>> -> memref<1x1x192xf32, #tpu.memory_space<hbm>>
      %dma_start3A_78 = tpu.memref_squeeze %dma_start3A_77 : memref<1x1x192xf32, #tpu.memory_space<hbm>> -> memref<1x192xf32, #tpu.memory_space<hbm>>
      %dma_start3A_79 = arith.constant 0 : i32
      %dma_start3A_80 = arith.constant 0 : i32
      %dma_start3A_81 = tpu.memref_slice %arg4[%add3A_40, %dma_start3A_79, %dma_start3A_80] : memref<64x257x192xf32, #tpu.memory_space<hbm>> -> memref<1x1x192xf32, #tpu.memory_space<hbm>>
      %dma_start3A_82 = tpu.memref_squeeze %dma_start3A_81 : memref<1x1x192xf32, #tpu.memory_space<hbm>> -> memref<1x192xf32, #tpu.memory_space<hbm>>
      tpu.enqueue_dma source(%arg7 : memref<1x192xf32, #tpu.memory_space<vmem>>) target(%dma_start3A_82 : memref<1x192xf32, #tpu.memory_space<hbm>>) target_semaphore(%run_scoped3A : memref<!tpu.dma_semaphore, #tpu.memory_space<semaphore_mem>>)
      %dma_wait3A_83 = arith.constant 0 : i32
      %dma_wait3A_84 = arith.constant 0 : i32
      %dma_wait3A_85 = tpu.memref_slice %arg4[%add3A_40, %dma_wait3A_83, %dma_wait3A_84] : memref<64x257x192xf32, #tpu.memory_space<hbm>> -> memref<1x1x192xf32, #tpu.memory_space<hbm>>
      %dma_wait3A_86 = tpu.memref_squeeze %dma_wait3A_85 : memref<1x1x192xf32, #tpu.memory_space<hbm>> -> memref<1x192xf32, #tpu.memory_space<hbm>>
      %dma_wait3A_87 = arith.constant 0 : i32
      %dma_wait3A_88 = arith.constant 0 : i32
      %dma_wait3A_89 = tpu.memref_slice %arg4[%add3A_40, %dma_wait3A_87, %dma_wait3A_88] : memref<64x257x192xf32, #tpu.memory_space<hbm>> -> memref<1x1x192xf32, #tpu.memory_space<hbm>>
      %dma_wait3A_90 = tpu.memref_squeeze %dma_wait3A_89 : memref<1x1x192xf32, #tpu.memory_space<hbm>> -> memref<1x192xf32, #tpu.memory_space<hbm>>
      tpu.wait_dma2 semaphore(%run_scoped3A : memref<!tpu.dma_semaphore, #tpu.memory_space<semaphore_mem>>) src(%arg7 : memref<1x192xf32, #tpu.memory_space<vmem>>) dst(%dma_wait3A_90 : memref<1x192xf32, #tpu.memory_space<hbm>>)
      tpu.yield
    }) : () -> ()
    %dma_wait3A_59 = arith.constant 0 : i32
    %dma_wait3A_60 = arith.constant 0 : i32
    %dma_wait3A_61 = tpu.memref_slice %arg6[%dma_wait3A_59, %dma_wait3A_60] : memref<256x192xf32, #tpu.memory_space<vmem>> -> memref<128x192xf32, #tpu.memory_space<vmem>>
    %dma_wait3A_62 = arith.constant 0 : i32
    %dma_wait3A_63 = tpu.memref_slice %arg5[%dma_wait3A_62] : memref<256xi32, #tpu.memory_space<vmem>> -> memref<128xi32, #tpu.memory_space<vmem>>
    %dma_wait3A_64 = arith.constant 0 : i32
    %dma_wait3A_65 = arith.constant 0 : i32
    %dma_wait3A_66 = tpu.memref_slice %arg2[%dma_wait3A_64, %dma_wait3A_65] : memref<65600x192xf32, #tpu.memory_space<hbm>> -> memref<65600x192xf32, #tpu.memory_space<hbm>>
    tpu.wait_indirect_dma semaphore(%arg8 : memref<!tpu.dma_semaphore, #tpu.memory_space<semaphore_mem>>) src(%dma_wait3A_66 : memref<65600x192xf32, #tpu.memory_space<hbm>>) dst(%dma_wait3A_61 : memref<128x192xf32, #tpu.memory_space<vmem>>)
    %dma_wait3A_67 = arith.constant 128 : i32
    %dma_wait3A_68 = arith.constant 0 : i32
    %dma_wait3A_69 = tpu.memref_slice %arg6[%dma_wait3A_67, %dma_wait3A_68] : memref<256x192xf32, #tpu.memory_space<vmem>> -> memref<128x192xf32, #tpu.memory_space<vmem>>
    %dma_wait3A_70 = arith.constant 128 : i32
    %dma_wait3A_71 = tpu.memref_slice %arg5[%dma_wait3A_70] : memref<256xi32, #tpu.memory_space<vmem>> -> memref<128xi32, #tpu.memory_space<vmem>>
    %dma_wait3A_72 = arith.constant 0 : i32
    %dma_wait3A_73 = arith.constant 0 : i32
    %dma_wait3A_74 = tpu.memref_slice %arg2[%dma_wait3A_72, %dma_wait3A_73] : memref<65600x192xf32, #tpu.memory_space<hbm>> -> memref<65600x192xf32, #tpu.memory_space<hbm>>
    tpu.wait_indirect_dma semaphore(%arg8 : memref<!tpu.dma_semaphore, #tpu.memory_space<semaphore_mem>>) src(%dma_wait3A_74 : memref<65600x192xf32, #tpu.memory_space<hbm>>) dst(%dma_wait3A_69 : memref<128x192xf32, #tpu.memory_space<vmem>>)
    "tpu.region"() ({
      %run_scoped3A = tpu.sem_alloc : memref<!tpu.dma_semaphore, #tpu.memory_space<semaphore_mem>>
      %dma_start3A_75 = arith.constant 1 : i32
      %dma_start3A_76 = arith.constant 0 : i32
      %dma_start3A_77 = tpu.memref_slice %arg4[%add3A_40, %dma_start3A_75, %dma_start3A_76] : memref<64x257x192xf32, #tpu.memory_space<hbm>> -> memref<1x256x192xf32, #tpu.memory_space<hbm>>
      %dma_start3A_78 = tpu.memref_squeeze %dma_start3A_77 : memref<1x256x192xf32, #tpu.memory_space<hbm>> -> memref<256x192xf32, #tpu.memory_space<hbm>>
      %dma_start3A_79 = arith.constant 1 : i32
      %dma_start3A_80 = arith.constant 0 : i32
      %dma_start3A_81 = tpu.memref_slice %arg4[%add3A_40, %dma_start3A_79, %dma_start3A_80] : memref<64x257x192xf32, #tpu.memory_space<hbm>> -> memref<1x256x192xf32, #tpu.memory_space<hbm>>
      %dma_start3A_82 = tpu.memref_squeeze %dma_start3A_81 : memref<1x256x192xf32, #tpu.memory_space<hbm>> -> memref<256x192xf32, #tpu.memory_space<hbm>>
      tpu.enqueue_dma source(%arg6 : memref<256x192xf32, #tpu.memory_space<vmem>>) target(%dma_start3A_82 : memref<256x192xf32, #tpu.memory_space<hbm>>) target_semaphore(%run_scoped3A : memref<!tpu.dma_semaphore, #tpu.memory_space<semaphore_mem>>)
      %dma_wait3A_83 = arith.constant 1 : i32
      %dma_wait3A_84 = arith.constant 0 : i32
      %dma_wait3A_85 = tpu.memref_slice %arg4[%add3A_40, %dma_wait3A_83, %dma_wait3A_84] : memref<64x257x192xf32, #tpu.memory_space<hbm>> -> memref<1x256x192xf32, #tpu.memory_space<hbm>>
      %dma_wait3A_86 = tpu.memref_squeeze %dma_wait3A_85 : memref<1x256x192xf32, #tpu.memory_space<hbm>> -> memref<256x192xf32, #tpu.memory_space<hbm>>
      %dma_wait3A_87 = arith.constant 1 : i32
      %dma_wait3A_88 = arith.constant 0 : i32
      %dma_wait3A_89 = tpu.memref_slice %arg4[%add3A_40, %dma_wait3A_87, %dma_wait3A_88] : memref<64x257x192xf32, #tpu.memory_space<hbm>> -> memref<1x256x192xf32, #tpu.memory_space<hbm>>
      %dma_wait3A_90 = tpu.memref_squeeze %dma_wait3A_89 : memref<1x256x192xf32, #tpu.memory_space<hbm>> -> memref<256x192xf32, #tpu.memory_space<hbm>>
      tpu.wait_dma2 semaphore(%run_scoped3A : memref<!tpu.dma_semaphore, #tpu.memory_space<semaphore_mem>>) src(%arg6 : memref<256x192xf32, #tpu.memory_space<vmem>>) dst(%dma_wait3A_90 : memref<256x192xf32, #tpu.memory_space<hbm>>)
      tpu.yield
    }) : () -> ()
    return
  }
}

module attributes {stable_mosaic.version = 14 : i64} {
  func.func @_rank_body(%arg0: i32, %arg1: memref<1x1025x192xf32, #tpu.memory_space<vmem>>, %arg2: memref<1x1024x192xf32, #tpu.memory_space<vmem>>, %arg3: memref<1x1x256xi32, #tpu.memory_space<vmem>>) attributes {dimension_semantics = [#tpu.dimension_semantics<arbitrary>], iteration_bounds = array<i64: 64>, scalar_prefetch = 0 : i64, scratch_operands = 0 : i64, tpu.core_type = #tpu.core_type<tc>, window_params = [{transform_indices = @transform_0, window_bounds = array<i64: 1, 1025, 192>}, {transform_indices = @transform_1, window_bounds = array<i64: 1, 1024, 192>}, {transform_indices = @transform_2, window_bounds = array<i64: 1, 1, 256>}]} {
    %get3A = arith.constant 0 : index
    %get3A_0 = arith.constant 1 : index
    %get3A_1 = arith.constant 0 : index
    %get3A_2 = vector.load %arg1[%get3A, %get3A_0, %get3A_1] : memref<1x1025x192xf32, #tpu.memory_space<vmem>>, vector<1x1024x192xf32>
    %get3A_3 = vector.shape_cast %get3A_2 : vector<1x1024x192xf32> to vector<1024x192xf32>
    %get3A_4 = arith.constant 0 : index
    %get3A_5 = arith.constant 0 : index
    %get3A_6 = arith.constant 0 : index
    %get3A_7 = vector.load %arg2[%get3A_4, %get3A_5, %get3A_6] : memref<1x1024x192xf32, #tpu.memory_space<vmem>>, vector<1x1024x192xf32>
    %get3A_8 = vector.shape_cast %get3A_7 : vector<1x1024x192xf32> to vector<1024x192xf32>
    %reduce_sum3A = arith.constant dense<0.000000e+00> : vector<192xf32>
    %reduce_sum3A_9 = vector.multi_reduction <add>, %get3A_8, %reduce_sum3A [0] : vector<1024x192xf32> to vector<192xf32>
    %broadcast_in_dim3A = vector.shape_cast %reduce_sum3A_9 : vector<192xf32> to vector<1x192xf32>
    %mul3A = arith.constant 9.765625E-4 : f32
    %mul3A_10 = vector.broadcast %mul3A : f32 to vector<1x192xf32>
    %mul3A_11 = arith.mulf %broadcast_in_dim3A, %mul3A_10 : vector<1x192xf32>
    %logistic3A = arith.negf %mul3A_11 : vector<1x192xf32>
    %logistic3A_12 = math.exp %logistic3A : vector<1x192xf32>
    %logistic3A_13 = arith.constant 1.000000e+00 : f32
    %logistic3A_14 = vector.broadcast %logistic3A_13 : f32 to vector<1x192xf32>
    %logistic3A_15 = arith.addf %logistic3A_14, %logistic3A_12 : vector<1x192xf32>
    %logistic3A_16 = arith.divf %logistic3A_14, %logistic3A_15 : vector<1x192xf32>
    %reshape3A = vector.shape_cast %logistic3A_16 : vector<1x192xf32> to vector<192x1xf32>
    %dot_general3A = arith.constant dense<0.000000e+00> : vector<1024x1xf32>
    %dot_general3A_17 = tpu.matmul %get3A_3, %reshape3A, %dot_general3A {dimension_numbers = #tpu.dot_dimension_numbers<[1], [0], [0], [1], [0, 0, 1, 1], [], []>, transpose_lhs_hint = false} : vector<1024x192xf32>, vector<192x1xf32>, vector<1024x1xf32> -> vector<1024x1xf32>
    %reshape3A_18 = vector.shape_cast %dot_general3A_17 : vector<1024x1xf32> to vector<1x1024xf32>
    %iota3A = tpu.iota {dimensions = array<i32: 0>} : vector<128x1024xi32>
    %iota3A_19 = tpu.iota {dimensions = array<i32: 1>} : vector<128x1024xi32>
    %broadcast_in_dim3A_20 = arith.constant 0 : i32
    %broadcast_in_dim3A_21 = vector.broadcast %broadcast_in_dim3A_20 : i32 to vector<1x1024xi32>
    %slice3A = vector.extract_strided_slice %dot_general3A_17 {offsets = [0, 0], sizes = [128, 1], strides = [1, 1]} : vector<1024x1xf32> to vector<128x1xf32>
    %add3A = arith.constant 0 : i32
    %add3A_22 = vector.broadcast %add3A : i32 to vector<128x1024xi32>
    %add3A_23 = arith.addi %iota3A, %add3A_22 : vector<128x1024xi32>
    %lt3A = vector.broadcast %slice3A : vector<128x1xf32> to vector<128x1024xf32>
    %lt3A_24 = vector.broadcast %reshape3A_18 : vector<1x1024xf32> to vector<128x1024xf32>
    %lt3A_25 = arith.cmpf olt, %lt3A, %lt3A_24 : vector<128x1024xf32>
    %eq3A = vector.broadcast %slice3A : vector<128x1xf32> to vector<128x1024xf32>
    %eq3A_26 = vector.broadcast %reshape3A_18 : vector<1x1024xf32> to vector<128x1024xf32>
    %eq3A_27 = arith.cmpf oeq, %eq3A, %eq3A_26 : vector<128x1024xf32>
    %lt3A_28 = arith.cmpi slt, %add3A_23, %iota3A_19 : vector<128x1024xi32>
    %and3A = arith.andi %eq3A_27, %lt3A_28 : vector<128x1024xi1>
    %or3A = arith.ori %lt3A_25, %and3A : vector<128x1024xi1>
    %convert_element_type3A = arith.extui %or3A : vector<128x1024xi1> to vector<128x1024xi32>
    %reduce_sum3A_29 = arith.constant dense<0> : vector<1024xi32>
    %reduce_sum3A_30 = vector.multi_reduction <add>, %convert_element_type3A, %reduce_sum3A_29 [0] : vector<128x1024xi32> to vector<1024xi32>
    %broadcast_in_dim3A_31 = vector.shape_cast %reduce_sum3A_30 : vector<1024xi32> to vector<1x1024xi32>
    %add3A_32 = arith.addi %broadcast_in_dim3A_21, %broadcast_in_dim3A_31 : vector<1x1024xi32>
    %slice3A_33 = vector.extract_strided_slice %dot_general3A_17 {offsets = [128, 0], sizes = [128, 1], strides = [1, 1]} : vector<1024x1xf32> to vector<128x1xf32>
    %add3A_34 = arith.constant 128 : i32
    %add3A_35 = vector.broadcast %add3A_34 : i32 to vector<128x1024xi32>
    %add3A_36 = arith.addi %iota3A, %add3A_35 : vector<128x1024xi32>
    %lt3A_37 = vector.broadcast %slice3A_33 : vector<128x1xf32> to vector<128x1024xf32>
    %lt3A_38 = vector.broadcast %reshape3A_18 : vector<1x1024xf32> to vector<128x1024xf32>
    %lt3A_39 = arith.cmpf olt, %lt3A_37, %lt3A_38 : vector<128x1024xf32>
    %eq3A_40 = vector.broadcast %slice3A_33 : vector<128x1xf32> to vector<128x1024xf32>
    %eq3A_41 = vector.broadcast %reshape3A_18 : vector<1x1024xf32> to vector<128x1024xf32>
    %eq3A_42 = arith.cmpf oeq, %eq3A_40, %eq3A_41 : vector<128x1024xf32>
    %lt3A_43 = arith.cmpi slt, %add3A_36, %iota3A_19 : vector<128x1024xi32>
    %and3A_44 = arith.andi %eq3A_42, %lt3A_43 : vector<128x1024xi1>
    %or3A_45 = arith.ori %lt3A_39, %and3A_44 : vector<128x1024xi1>
    %convert_element_type3A_46 = arith.extui %or3A_45 : vector<128x1024xi1> to vector<128x1024xi32>
    %reduce_sum3A_47 = arith.constant dense<0> : vector<1024xi32>
    %reduce_sum3A_48 = vector.multi_reduction <add>, %convert_element_type3A_46, %reduce_sum3A_47 [0] : vector<128x1024xi32> to vector<1024xi32>
    %broadcast_in_dim3A_49 = vector.shape_cast %reduce_sum3A_48 : vector<1024xi32> to vector<1x1024xi32>
    %add3A_50 = arith.addi %add3A_32, %broadcast_in_dim3A_49 : vector<1x1024xi32>
    %slice3A_51 = vector.extract_strided_slice %dot_general3A_17 {offsets = [256, 0], sizes = [128, 1], strides = [1, 1]} : vector<1024x1xf32> to vector<128x1xf32>
    %add3A_52 = arith.constant 256 : i32
    %add3A_53 = vector.broadcast %add3A_52 : i32 to vector<128x1024xi32>
    %add3A_54 = arith.addi %iota3A, %add3A_53 : vector<128x1024xi32>
    %lt3A_55 = vector.broadcast %slice3A_51 : vector<128x1xf32> to vector<128x1024xf32>
    %lt3A_56 = vector.broadcast %reshape3A_18 : vector<1x1024xf32> to vector<128x1024xf32>
    %lt3A_57 = arith.cmpf olt, %lt3A_55, %lt3A_56 : vector<128x1024xf32>
    %eq3A_58 = vector.broadcast %slice3A_51 : vector<128x1xf32> to vector<128x1024xf32>
    %eq3A_59 = vector.broadcast %reshape3A_18 : vector<1x1024xf32> to vector<128x1024xf32>
    %eq3A_60 = arith.cmpf oeq, %eq3A_58, %eq3A_59 : vector<128x1024xf32>
    %lt3A_61 = arith.cmpi slt, %add3A_54, %iota3A_19 : vector<128x1024xi32>
    %and3A_62 = arith.andi %eq3A_60, %lt3A_61 : vector<128x1024xi1>
    %or3A_63 = arith.ori %lt3A_57, %and3A_62 : vector<128x1024xi1>
    %convert_element_type3A_64 = arith.extui %or3A_63 : vector<128x1024xi1> to vector<128x1024xi32>
    %reduce_sum3A_65 = arith.constant dense<0> : vector<1024xi32>
    %reduce_sum3A_66 = vector.multi_reduction <add>, %convert_element_type3A_64, %reduce_sum3A_65 [0] : vector<128x1024xi32> to vector<1024xi32>
    %broadcast_in_dim3A_67 = vector.shape_cast %reduce_sum3A_66 : vector<1024xi32> to vector<1x1024xi32>
    %add3A_68 = arith.addi %add3A_50, %broadcast_in_dim3A_67 : vector<1x1024xi32>
    %slice3A_69 = vector.extract_strided_slice %dot_general3A_17 {offsets = [384, 0], sizes = [128, 1], strides = [1, 1]} : vector<1024x1xf32> to vector<128x1xf32>
    %add3A_70 = arith.constant 384 : i32
    %add3A_71 = vector.broadcast %add3A_70 : i32 to vector<128x1024xi32>
    %add3A_72 = arith.addi %iota3A, %add3A_71 : vector<128x1024xi32>
    %lt3A_73 = vector.broadcast %slice3A_69 : vector<128x1xf32> to vector<128x1024xf32>
    %lt3A_74 = vector.broadcast %reshape3A_18 : vector<1x1024xf32> to vector<128x1024xf32>
    %lt3A_75 = arith.cmpf olt, %lt3A_73, %lt3A_74 : vector<128x1024xf32>
    %eq3A_76 = vector.broadcast %slice3A_69 : vector<128x1xf32> to vector<128x1024xf32>
    %eq3A_77 = vector.broadcast %reshape3A_18 : vector<1x1024xf32> to vector<128x1024xf32>
    %eq3A_78 = arith.cmpf oeq, %eq3A_76, %eq3A_77 : vector<128x1024xf32>
    %lt3A_79 = arith.cmpi slt, %add3A_72, %iota3A_19 : vector<128x1024xi32>
    %and3A_80 = arith.andi %eq3A_78, %lt3A_79 : vector<128x1024xi1>
    %or3A_81 = arith.ori %lt3A_75, %and3A_80 : vector<128x1024xi1>
    %convert_element_type3A_82 = arith.extui %or3A_81 : vector<128x1024xi1> to vector<128x1024xi32>
    %reduce_sum3A_83 = arith.constant dense<0> : vector<1024xi32>
    %reduce_sum3A_84 = vector.multi_reduction <add>, %convert_element_type3A_82, %reduce_sum3A_83 [0] : vector<128x1024xi32> to vector<1024xi32>
    %broadcast_in_dim3A_85 = vector.shape_cast %reduce_sum3A_84 : vector<1024xi32> to vector<1x1024xi32>
    %add3A_86 = arith.addi %add3A_68, %broadcast_in_dim3A_85 : vector<1x1024xi32>
    %slice3A_87 = vector.extract_strided_slice %dot_general3A_17 {offsets = [512, 0], sizes = [128, 1], strides = [1, 1]} : vector<1024x1xf32> to vector<128x1xf32>
    %add3A_88 = arith.constant 512 : i32
    %add3A_89 = vector.broadcast %add3A_88 : i32 to vector<128x1024xi32>
    %add3A_90 = arith.addi %iota3A, %add3A_89 : vector<128x1024xi32>
    %lt3A_91 = vector.broadcast %slice3A_87 : vector<128x1xf32> to vector<128x1024xf32>
    %lt3A_92 = vector.broadcast %reshape3A_18 : vector<1x1024xf32> to vector<128x1024xf32>
    %lt3A_93 = arith.cmpf olt, %lt3A_91, %lt3A_92 : vector<128x1024xf32>
    %eq3A_94 = vector.broadcast %slice3A_87 : vector<128x1xf32> to vector<128x1024xf32>
    %eq3A_95 = vector.broadcast %reshape3A_18 : vector<1x1024xf32> to vector<128x1024xf32>
    %eq3A_96 = arith.cmpf oeq, %eq3A_94, %eq3A_95 : vector<128x1024xf32>
    %lt3A_97 = arith.cmpi slt, %add3A_90, %iota3A_19 : vector<128x1024xi32>
    %and3A_98 = arith.andi %eq3A_96, %lt3A_97 : vector<128x1024xi1>
    %or3A_99 = arith.ori %lt3A_93, %and3A_98 : vector<128x1024xi1>
    %convert_element_type3A_100 = arith.extui %or3A_99 : vector<128x1024xi1> to vector<128x1024xi32>
    %reduce_sum3A_101 = arith.constant dense<0> : vector<1024xi32>
    %reduce_sum3A_102 = vector.multi_reduction <add>, %convert_element_type3A_100, %reduce_sum3A_101 [0] : vector<128x1024xi32> to vector<1024xi32>
    %broadcast_in_dim3A_103 = vector.shape_cast %reduce_sum3A_102 : vector<1024xi32> to vector<1x1024xi32>
    %add3A_104 = arith.addi %add3A_86, %broadcast_in_dim3A_103 : vector<1x1024xi32>
    %slice3A_105 = vector.extract_strided_slice %dot_general3A_17 {offsets = [640, 0], sizes = [128, 1], strides = [1, 1]} : vector<1024x1xf32> to vector<128x1xf32>
    %add3A_106 = arith.constant 640 : i32
    %add3A_107 = vector.broadcast %add3A_106 : i32 to vector<128x1024xi32>
    %add3A_108 = arith.addi %iota3A, %add3A_107 : vector<128x1024xi32>
    %lt3A_109 = vector.broadcast %slice3A_105 : vector<128x1xf32> to vector<128x1024xf32>
    %lt3A_110 = vector.broadcast %reshape3A_18 : vector<1x1024xf32> to vector<128x1024xf32>
    %lt3A_111 = arith.cmpf olt, %lt3A_109, %lt3A_110 : vector<128x1024xf32>
    %eq3A_112 = vector.broadcast %slice3A_105 : vector<128x1xf32> to vector<128x1024xf32>
    %eq3A_113 = vector.broadcast %reshape3A_18 : vector<1x1024xf32> to vector<128x1024xf32>
    %eq3A_114 = arith.cmpf oeq, %eq3A_112, %eq3A_113 : vector<128x1024xf32>
    %lt3A_115 = arith.cmpi slt, %add3A_108, %iota3A_19 : vector<128x1024xi32>
    %and3A_116 = arith.andi %eq3A_114, %lt3A_115 : vector<128x1024xi1>
    %or3A_117 = arith.ori %lt3A_111, %and3A_116 : vector<128x1024xi1>
    %convert_element_type3A_118 = arith.extui %or3A_117 : vector<128x1024xi1> to vector<128x1024xi32>
    %reduce_sum3A_119 = arith.constant dense<0> : vector<1024xi32>
    %reduce_sum3A_120 = vector.multi_reduction <add>, %convert_element_type3A_118, %reduce_sum3A_119 [0] : vector<128x1024xi32> to vector<1024xi32>
    %broadcast_in_dim3A_121 = vector.shape_cast %reduce_sum3A_120 : vector<1024xi32> to vector<1x1024xi32>
    %add3A_122 = arith.addi %add3A_104, %broadcast_in_dim3A_121 : vector<1x1024xi32>
    %slice3A_123 = vector.extract_strided_slice %dot_general3A_17 {offsets = [768, 0], sizes = [128, 1], strides = [1, 1]} : vector<1024x1xf32> to vector<128x1xf32>
    %add3A_124 = arith.constant 768 : i32
    %add3A_125 = vector.broadcast %add3A_124 : i32 to vector<128x1024xi32>
    %add3A_126 = arith.addi %iota3A, %add3A_125 : vector<128x1024xi32>
    %lt3A_127 = vector.broadcast %slice3A_123 : vector<128x1xf32> to vector<128x1024xf32>
    %lt3A_128 = vector.broadcast %reshape3A_18 : vector<1x1024xf32> to vector<128x1024xf32>
    %lt3A_129 = arith.cmpf olt, %lt3A_127, %lt3A_128 : vector<128x1024xf32>
    %eq3A_130 = vector.broadcast %slice3A_123 : vector<128x1xf32> to vector<128x1024xf32>
    %eq3A_131 = vector.broadcast %reshape3A_18 : vector<1x1024xf32> to vector<128x1024xf32>
    %eq3A_132 = arith.cmpf oeq, %eq3A_130, %eq3A_131 : vector<128x1024xf32>
    %lt3A_133 = arith.cmpi slt, %add3A_126, %iota3A_19 : vector<128x1024xi32>
    %and3A_134 = arith.andi %eq3A_132, %lt3A_133 : vector<128x1024xi1>
    %or3A_135 = arith.ori %lt3A_129, %and3A_134 : vector<128x1024xi1>
    %convert_element_type3A_136 = arith.extui %or3A_135 : vector<128x1024xi1> to vector<128x1024xi32>
    %reduce_sum3A_137 = arith.constant dense<0> : vector<1024xi32>
    %reduce_sum3A_138 = vector.multi_reduction <add>, %convert_element_type3A_136, %reduce_sum3A_137 [0] : vector<128x1024xi32> to vector<1024xi32>
    %broadcast_in_dim3A_139 = vector.shape_cast %reduce_sum3A_138 : vector<1024xi32> to vector<1x1024xi32>
    %add3A_140 = arith.addi %add3A_122, %broadcast_in_dim3A_139 : vector<1x1024xi32>
    %slice3A_141 = vector.extract_strided_slice %dot_general3A_17 {offsets = [896, 0], sizes = [128, 1], strides = [1, 1]} : vector<1024x1xf32> to vector<128x1xf32>
    %add3A_142 = arith.constant 896 : i32
    %add3A_143 = vector.broadcast %add3A_142 : i32 to vector<128x1024xi32>
    %add3A_144 = arith.addi %iota3A, %add3A_143 : vector<128x1024xi32>
    %lt3A_145 = vector.broadcast %slice3A_141 : vector<128x1xf32> to vector<128x1024xf32>
    %lt3A_146 = vector.broadcast %reshape3A_18 : vector<1x1024xf32> to vector<128x1024xf32>
    %lt3A_147 = arith.cmpf olt, %lt3A_145, %lt3A_146 : vector<128x1024xf32>
    %eq3A_148 = vector.broadcast %slice3A_141 : vector<128x1xf32> to vector<128x1024xf32>
    %eq3A_149 = vector.broadcast %reshape3A_18 : vector<1x1024xf32> to vector<128x1024xf32>
    %eq3A_150 = arith.cmpf oeq, %eq3A_148, %eq3A_149 : vector<128x1024xf32>
    %lt3A_151 = arith.cmpi slt, %add3A_144, %iota3A_19 : vector<128x1024xi32>
    %and3A_152 = arith.andi %eq3A_150, %lt3A_151 : vector<128x1024xi1>
    %or3A_153 = arith.ori %lt3A_147, %and3A_152 : vector<128x1024xi1>
    %convert_element_type3A_154 = arith.extui %or3A_153 : vector<128x1024xi1> to vector<128x1024xi32>
    %reduce_sum3A_155 = arith.constant dense<0> : vector<1024xi32>
    %reduce_sum3A_156 = vector.multi_reduction <add>, %convert_element_type3A_154, %reduce_sum3A_155 [0] : vector<128x1024xi32> to vector<1024xi32>
    %broadcast_in_dim3A_157 = vector.shape_cast %reduce_sum3A_156 : vector<1024xi32> to vector<1x1024xi32>
    %add3A_158 = arith.addi %add3A_140, %broadcast_in_dim3A_157 : vector<1x1024xi32>
    %reshape3A_159 = vector.shape_cast %add3A_158 : vector<1x1024xi32> to vector<1024x1xi32>
    %iota3A_160 = tpu.iota {dimensions = array<i32: 1>} : vector<1024x256xi32>
    %add3A_161 = arith.constant 768 : i32
    %add3A_162 = vector.broadcast %add3A_161 : i32 to vector<1024x256xi32>
    %add3A_163 = arith.addi %iota3A_160, %add3A_162 : vector<1024x256xi32>
    %iota3A_164 = tpu.iota {dimensions = array<i32: 0>} : vector<1024x1xi32>
    %mul3A_165 = arith.constant 1025 : i32
    %mul3A_166 = arith.muli %arg0, %mul3A_165 : i32
    %add3A_167 = arith.constant 1 : i32
    %add3A_168 = arith.addi %mul3A_166, %add3A_167 : i32
    %add3A_169 = vector.broadcast %add3A_168 : i32 to vector<1024x1xi32>
    %add3A_170 = arith.addi %iota3A_164, %add3A_169 : vector<1024x1xi32>
    %eq3A_171 = vector.broadcast %reshape3A_159 : vector<1024x1xi32> to vector<1024x256xi32>
    %eq3A_172 = arith.cmpi eq, %eq3A_171, %add3A_163 : vector<1024x256xi32>
    %jit3A = arith.constant 0 : i32
    %broadcast_in_dim3A_173 = vector.shape_cast %add3A_170 : vector<1024x1xi32> to vector<1024x1xi32>
    %broadcast_in_dim3A_174 = vector.broadcast %broadcast_in_dim3A_173 : vector<1024x1xi32> to vector<1024x256xi32>
    %broadcast_in_dim3A_175 = vector.broadcast %jit3A : i32 to vector<1024x256xi32>
    %select_n3A = arith.select %eq3A_172, %broadcast_in_dim3A_174, %broadcast_in_dim3A_175 : vector<1024x256xi1>, vector<1024x256xi32>
    %reduce_sum3A_176 = arith.constant dense<0> : vector<256xi32>
    %reduce_sum3A_177 = vector.multi_reduction <add>, %select_n3A, %reduce_sum3A_176 [0] : vector<1024x256xi32> to vector<256xi32>
    %broadcast_in_dim3A_178 = vector.shape_cast %reduce_sum3A_177 : vector<256xi32> to vector<1x256xi32>
    %swap3A = arith.constant 0 : index
    %swap3A_179 = arith.constant 0 : index
    %swap3A_180 = arith.constant 0 : index
    %swap3A_181 = vector.load %arg3[%swap3A, %swap3A_179, %swap3A_180] : memref<1x1x256xi32, #tpu.memory_space<vmem>>, vector<1x1x256xi32>
    %swap3A_182 = vector.shape_cast %swap3A_181 : vector<1x1x256xi32> to vector<1x256xi32>
    %swap3A_183 = vector.shape_cast %broadcast_in_dim3A_178 : vector<1x256xi32> to vector<1x1x256xi32>
    tpu.vector_store %arg3[%swap3A, %swap3A_179, %swap3A_180], %swap3A_183 {strides = array<i32>} : memref<1x1x256xi32, #tpu.memory_space<vmem>>, vector<1x1x256xi32>,
    return
  }
  func.func @transform_0(%arg0: i32) -> (i32, i32, i32) {
    %c0_i32 = arith.constant 0 : i32
    %c0_i32_0 = arith.constant 0 : i32
    %c0_i32_1 = arith.constant 0 : i32
    return %arg0, %c0_i32, %c0_i32_0 : i32, i32, i32
  }
  func.func @transform_1(%arg0: i32) -> (i32, i32, i32) {
    %c0_i32 = arith.constant 0 : i32
    %c0_i32_0 = arith.constant 0 : i32
    %c0_i32_1 = arith.constant 0 : i32
    return %arg0, %c0_i32, %c0_i32_0 : i32, i32, i32
  }
  func.func @transform_2(%arg0: i32) -> (i32, i32, i32) {
    %c0_i32 = arith.constant 0 : i32
    %c0_i32_0 = arith.constant 0 : i32
    %c0_i32_1 = arith.constant 0 : i32
    return %arg0, %c0_i32, %c0_i32_0 : i32, i32, i32
  }
}

</mosaic_0001>

<sc_bundles>
// kernel: kernel.4.cloned.1.call-start
scs
__scs_entry_jumppad:
0x0: {  	(pc) =	sbr.rel $0x88, $3  }
0x1: {  	(tag) =	ssettag $0x0;
	lr =	simm.s32 $0x1  }
0x2: {  	[smem:$0x3F9F] =	sst lr;
	_ =	strace $0xD0000000  }
0x3: {  	_ = 	snop  }
0x4: {  	_ = 	snop  }
0x5: {  	_ = 	snop  }
0x6: {  	_ = 	snop  }
0x7: {  	_ = 	snop  }
__scs_overlays_trampoline_lowered:
0x8: {  	[smem:$0x3FAE] =	sst s0  }
0x9: {  	[smem:$0x3FAF] =	sst s1  }
0xa: {  	[smem:$0x3FB0] =	sst s2  }
0xb: {  	[smem:$0x3FB1] =	sst s3  }
0xc: {  	[smem:$0x3FB2] =	sst s4  }
0xd: {  	[smem:$0x3FB3] =	sst s5  }
0xe: {  	[smem:$0x3FB4] =	sst s6  }
0xf: {  	[smem:$0x3FB5] =	sst s7  }
0x10: {  	[smem:$0x3FB6] =	sst s8  }
0x11: {  	[smem:$0x3FB7] =	sst s9;
	s0 =	simm.s32 @!p0 $0x0  }
0x12: {  	s1 =	sld [smem:$0x3F9D];
	s0 =	simm.s32 @p0 $0x1  }
0x13: {  	[smem:$0x3FB8] =	sst s0;
	s0 =	simm.s32 @!p1 $0x0  }
0x14: {  	s2 =	sld [smem:$0x3F9C];
	s0 =	simm.s32 @p1 $0x1  }
0x15: {  	[smem:$0x3FB9] =	sst s0;
	s0 =	simm.s32 @!p2 $0x0  }
0x16: {  	s3 =	sld [smem:$0x3FDB];
	s0 =	simm.s32 @p2 $0x1  }
0x17: {  	s4 =	simm.s32 $0x1BF5;
	[smem:$0x3FBB] =	sst s0  }
0x18: {  	s0 =	sld [smem:$0x3F9E];
	_ =	swait.ge [sflag:s4], $0x0  }
0x19: {  	s7 =	sld [smem:$0x3F9F]  }
0x1a: {  	s8 =	sadd.s32 $0xFFFFE003, lr  }
0x1b: {  	s9 =	sadd.s32 $0xFFFFFEF7, lr;
	s5 =	simm.s32 $0xFFFFFFFF;
	p2 =	slt.u32 s8, $0xFFFFF086  }
0x1c: {  	p1 =	slt.u32 s9, $0xF7A;
	s5 =	simm.s32 @!p2 $0x0  }
0x1d: {  	s5 =	simm.s32 @p1 $0x1;
	p0 =	seq.s32 s7, s2  }
0x1e: {  	s7 =	smul.u32 @!p0 $0xF7A, s2;
	p2 =	seq.s32 @!p0 s5, $0x0  }
0x1f: {  	s9 =	smul.u32 $0xF7A, s1;
	s8 =	simm.s32 @!p0 $0x1BF5;
	p2 =	por !p2, p0  }
0x20: {  	[sflag:s8] =	ssyncset.s32 @!p0 $0xFFFFF086;
	s6 =	sadd.s32 @!p0 s3, s7;
	s7 =	simm.s32 @!p0 $0x108  }
0x21: {  	s3 =	sadd.s32 s3, s9;
	s6 =	sadd.s32 @!p0 $0x88, s6;
	s7 =	simm.s32 @p2 $0x1082  }
0x22: {  	[simem:s7], [sflag:s8] =	dma.local @!p0 [hbm:s6], $0xF7A  }
0x23: {  	s9 =	sor.u32 $0xD0000000, s2;
	s6 =	simm.s32 $0x108;
	_ =	swait.ge @!p0 [sflag:s8], $0x0  }
0x24: {  	s3 =	sadd.s32 $0x88, s3;
	s6 =	simm.s32 @!p1 $0x1082;
	[sflag:s4] =	ssyncset.s32 $0xFFFFF086  }
0x25: {  	[simem:s6], [sflag:s4] =	dma.local [hbm:s3], $0xF7A  }
0x26: {  	[smem:$0x3F9F] =	sst s1;
	(tag) =	ssettag s2;
	_ =	strace s9  }
0x27: {  	s1 =	sld [smem:$0x3FAF]  }
0x28: {  	s2 =	sld [smem:$0x3FB0]  }
0x29: {  	s4 =	sld [smem:$0x3FB2]  }
0x2a: {  	p0 =	seq.s32 s5, $0x0;
	s5 =	sld [smem:$0x3FB3]  }
0x2b: {  	s6 =	sld [smem:$0x3FB4]  }
0x2c: {  	s7 =	sld [smem:$0x3FB5]  }
0x2d: {  	s3 =	simm.s32 $0x108;
	s8 =	sld [smem:$0x3FB6]  }
0x2e: {  	s3 =	simm.s32 @!p0 $0x1082;
	s9 =	sld [smem:$0x3FB7]  }
0x2f: {  	lr =	sadd.s32 s0, s3;
	s0 =	sld [smem:$0x3FAE]  }
0x30: {  	s3 =	sld [smem:$0x3FB1]  }
0x31: {  	[smem:$0x3FBA] =	sst s10  }
0x32: {  	s10 =	sld [smem:$0x3FB8];
	_ =	sdelay $0x3  }
0x33: {  	p0 =	seq.s32 s10, $0x1;
	s10 =	sld [smem:$0x3FBA];
	_ =	sdelay $0x3  }
0x34: {  	[smem:$0x3FBA] =	sst s10  }
0x35: {  	s10 =	sld [smem:$0x3FB9];
	_ =	sdelay $0x3  }
0x36: {  	p1 =	seq.s32 s10, $0x1;
	s10 =	sld [smem:$0x3FBA];
	_ =	sdelay $0x3  }
0x37: {  	[smem:$0x3FBA] =	sst s10  }
0x38: {  	s10 =	sld [smem:$0x3FBB]  }
0x39: {  	_ = 	snop;
	(pc) =	sbr.ind lr, $3  }
0x3a: {  	_ = 	snop  }
0x3b: {  	_ = 	snop  }
0x3c: {  	p2 =	seq.s32 s10, $0x1;
	s10 =	sld [smem:$0x3FBA]  }
0x3d: {  	_ =	shalt  }
0x3e: {  	_ =	shalt  }
0x3f: {  	_ =	shalt  }
0x40: {  	_ =	shalt  }
0x41: {  	_ =	shalt  }
0x42: {  	_ =	shalt  }
0x43: {  	_ =	shalt  }
0x44: {  	_ =	shalt  }
0x45: {  	_ =	shalt  }
0x46: {  	_ =	shalt  }
0x47: {  	_ =	shalt  }
0x48: {  	_ =	shalt  }
0x49: {  	_ =	shalt  }
0x4a: {  	_ =	shalt  }
0x4b: {  	_ =	shalt  }
0x4c: {  	_ =	shalt  }
0x4d: {  	_ =	shalt  }
0x4e: {  	_ =	shalt  }
0x4f: {  	_ =	shalt  }
0x50: {  	_ =	shalt  }
0x51: {  	_ =	shalt  }
0x52: {  	_ =	shalt  }
0x53: {  	_ =	shalt  }
0x54: {  	_ =	shalt  }
0x55: {  	_ =	shalt  }
0x56: {  	_ =	shalt  }
0x57: {  	_ =	shalt  }
0x58: {  	_ =	shalt  }
0x59: {  	_ =	shalt  }
0x5a: {  	_ =	shalt  }
0x5b: {  	_ =	shalt  }
0x5c: {  	_ =	shalt  }
0x5d: {  	_ =	shalt  }
0x5e: {  	_ =	shalt  }
0x5f: {  	_ =	shalt  }
0x60: {  	_ =	shalt  }
0x61: {  	_ =	shalt  }
0x62: {  	_ =	shalt  }
0x63: {  	_ =	shalt  }
0x64: {  	_ =	shalt  }
0x65: {  	_ =	shalt  }
0x66: {  	_ =	shalt  }
0x67: {  	_ =	shalt  }
0x68: {  	_ =	shalt  }
0x69: {  	_ =	shalt  }
0x6a: {  	_ =	shalt  }
0x6b: {  	_ =	shalt  }
0x6c: {  	_ =	shalt  }
0x6d: {  	_ =	shalt  }
0x6e: {  	_ =	shalt  }
0x6f: {  	_ =	shalt  }
0x70: {  	_ =	shalt  }
0x71: {  	_ =	shalt  }
0x72: {  	_ =	shalt  }
0x73: {  	_ =	shalt  }
0x74: {  	_ =	shalt  }
0x75: {  	_ =	shalt  }
0x76: {  	_ =	shalt  }
0x77: {  	_ =	shalt  }
0x78: {  	_ =	shalt  }
0x79: {  	_ =	shalt  }
0x7a: {  	_ =	shalt  }
0x7b: {  	_ =	shalt  }
0x7c: {  	_ =	shalt  }
0x7d: {  	_ =	shalt  }
0x7e: {  	_ =	shalt  }
0x7f: {  	_ =	shalt  }
0x80: {  	_ =	shalt  }
0x81: {  	_ =	shalt  }
0x82: {  	_ =	shalt  }
0x83: {  	_ =	shalt  }
0x84: {  	_ =	shalt  }
0x85: {  	_ =	shalt  }
0x86: {  	_ =	shalt  }
0x87: {  	_ =	shalt  }
.Lfunc_end0:
.L_simem_size_0:
called_computation.1_lowered:
.L_overlay_start_0:
0x88: {  	s2 =	sld [smem:$0x3FD9]  }
0x89: {  	s3 =	sld [smem:$0x3FFE];
	_ =	sdelay $0x1  }
0x8a: {  	s1 =	srdreg.scid  }
0x8b: {  	s0 =	sand.u32 $0x1, s1  }
0x8c: {  	s17 =	sshll.u32 s0, $0xA;
	s2 =	sadd.s32 s3, s2  }
0x8d: {  	s2 =	sadd.s32 s2, s17  }
0x8e: {  	[smem:$0x3FC6] =	sst s2  }
0x8f: {  	_ = 	snop  }
0x90: {  	s2 =	sld [smem:$0x3FD0];
	(tm) =	ssettm $0x1  }
0x91: {  	s18 =	sld [smem:$0x3FFB];
	_ =	sdelay $0x3  }
0x92: {  	_ =	strace s18  }
0x93: {  	s3 =	sld [smem:$0x3FFC];
	_ =	sdelay $0x3  }
0x94: {  	_ =	strace s3  }
0x95: {  	s3 =	sld [smem:$0x3FFD];
	_ =	sdelay $0x3  }
0x96: {  	_ =	strace s3  }
0x97: {  	_ =	strace $0x8FFFFFFF  }
0x98: {  	s19 =	sld [smem:$0x3FDB];
	_ =	sdelay $0x1  }
0x99: {  	s4 =	simm.s32 $_scs_section_size  }
0x9a: {  	s5 =	simm.s32 $_size__tile_overlayer_lowered;
	s6 =	simm.s32 $_tile_overlayer_lowered  }
0x9b: {  	s22 =	simm.s32 $0x1BFF;
	s21 =	sshll.u32 s6, $0x1;
	s3 =	sadd.s32 s4, s19  }
0x9c: {  	s7 =	simm.s32 $0x0;
	s20 =	sshll.u32 s5, $0x1;
	s5 =	sadd.s32 s21, s3  }
0x9d: {  	[timem:s7], [sflag:s22] =	dma.local [hbm:s5], s20  }
0x9e: {  	_ =	swait.ge [sflag:s22], s20  }
0x9f: {  	s4 =	ssub.s32 $0x0, s20;
	[sflag:s22] =	ssyncset.done $0x0  }
0xa0: {  	[sflag:s22] =	ssyncadd.s32 s4;
	_ =	sdelay $0x1  }
0xa1: {  	s23 =	simm.s32 $0x1B8B  }
0xa2: {  	_ =	swait.ge [sflag:s23], $0x1  }
0xa3: {  	[sflag:s23] =	ssyncset.done $0x0  }
0xa4: {  	s25 =	simm.s32 $0x1B8E;
	s24 =	sld [smem:$0x3FFE];
	[sflag:s23] =	ssyncadd.s32 $0xFFFFFFFF  }
0xa5: {  	s26 =	simm.s32 $execute0_lowered;
	[smem:$0x3FD2] =	sst s25  }
0xa6: {  	s5 =	sshll.u32 s26, $0x1;
	_ =	strace $0x80000049;
	[dreg:$0x1] =	wrdreg $0xFFFFFFFF  }
0xa7: {  	s28 =	simm.s32 $_size_execute0_lowered;
	s3 =	sadd.s32 s3, s5;
	[dreg:$0x0] =	wrdreg $0x0  }
0xa8: {  	s5 =	sshll.u32 s28, $0x1;
	[dreg:$0x2] =	wrdreg s3  }
0xa9: {  	[dreg:$0x3] =	wrdreg s5  }
0xaa: {  	[dreg:$0x4] =	wrdreg $0xC0  }
0xab: {  	_ =	task [dreg:s7], $0x5FFFF  }
0xac: {  	[dreg:$0x1] =	wrdreg $0xFFFFFFFF  }
0xad: {  	[dreg:$0x0] =	wrdreg $0x60  }
0xae: {  	[dreg:$0x2] =	wrdreg s24  }
0xaf: {  	[dreg:$0x3] =	wrdreg s2  }
0xb0: {  	[dreg:$0x4] =	wrdreg $0x9  }
0xb1: {  	_ =	task.clear_ibuf [dreg:s7], $0x5FFFF;
	_ =	strace $0x90000049  }
0xb2: {  	s29 =	simm.s32 $0x9;
	_ =	strace $0x8000004B  }
0xb3: {  	_ =	swait.ge [sflag:s29], $0x1  }
0xb4: {  	[sflag:s29] =	ssyncadd.s32 $0xFFFFFFFF  }
0xb5: {  	_ =	strace $0x9000004B  }
0xb6: {  	_ =	sfence  }
0xb7: {  	s30 =	sld [smem:$0x0];
	_ =	sdelay $0x2  }
0xb8: {  	s31 =	sshll.u32 s1, $0xD;
	s1 =	sshrl.u32 s1, $0x2  }
0xb9: {  	s3 =	sand.u32 $0x4000, s31;
	s1 =	sadd.s32 s1, s30  }
0xba: {  	s0 =	sor.u32 s3, s0;
	s1 =	sshll.u32 s1, $0x11  }
0xbb: {  	s0 =	sor.u32 s1, s0  }
0xbc: {  	s0 =	sadd.s32 $0x8F2B, s0  }
0xbd: {  	[sflag:s0] =	ssyncadd.remote.s32 $0x1  }
0xbe: {  	_ =	sfence.sel $0xFFFF  }
0xbf: {  	[dreg:$0x0] =	wrdreg $0xFFFFFFFF;
	(pc) =	sbr.abs _section_cstart, $3  }
0xc0: {  	[dreg:$0x1] =	wrdreg $0xFFFFFFFF  }
0xc1: {  	_ =	task.clear_ibuf [dreg:s7], $0x2FFFF;
	_ =	strace $0x9FFFFFFF  }
0xc2: {  	(tm) =	ssettm $0x7FFFFFFF  }
0xc3: {  	_ =	shalt  }
tec
execute0_lowered:
.L_overlay_start_1:
0x0: {  	(tag) =	ssettag $0x1  }
0x1: {  	s5 =	rddreg [dreg:$0x0]  }
0x2: {  	s1 =	srdreg.scid;
	s0 =	stileid.u32  }
0x3: {  	s16 =	rddreg [dreg:$0x1];
	s17 =	sand.u32 $0x1, s1;
	s3 =	sshll.u32 s0, $0x1  }
0x4: {  	s2 =	simm.s32 $0x0;
	s1 =	rddreg [dreg:$0x2];
	s14 =	sor.u32 s17, s3  }
0x5: {  	[smem:$0x7FF] =	sst s2;
	s15 =	sadd.s32 $0x204A00, s5;
	s3 =	sshll.u32 s14, $0x6  }
0x6: {  	_ =	strace $0x8000004A;
	s4 =	sadd.s32 s15, s3;
	s3 =	simm.s32 $0x2  }
0x7: {  	[tilespmem:s2], [sflag:$0x2] =	stream.linear.gather [hbm4b:s4+s2], $0x100, $0x38;
	[tilespmem:$0xC1C0] =	vst v63  }
0x8: {  	_ =	swait.ge [sflag:s3], $0x100  }
0x9: {  	s6 =	simm.s32 $0x80;
	[sflag:s3] =	ssyncset.done $0x0  }
0xa: {  	s7 =	simm.s32 $0x100;
	s5 =	sadd.s32 $0x205200, s5;
	[sflag:s3] =	ssyncadd.s32 $0xFFFFFF00  }
0xb: {  	[tilespmem:s7], [sflag:$0x1] =	stream.indirect.gather [hbm4b:s5+s6], $0xC0, s2, s6, $0xb8;
	[tilespmem:$0xC1C0] =	vst v63  }
0xc: {  	s8 =	simm.s32 $0x6100;
	s9 =	smul.u32 $0xC030, s14  }
0xd: {  	[tilespmem:s8], [sflag:$0x1] =	stream.indirect.gather [hbm4b:s5+s6], $0xC0, s6, s6, $0xb8;
	[tilespmem:$0xC1C0] =	vst v63  }
0xe: {  	s10 =	simm.s32 $0xC100;
	s11 =	smul.u32 $0x18180, s14;
	s9 =	sadd.s32 s5, s9  }
0xf: {  	[tilespmem:s10], [sflag:$0x2] =	stream.linear.gather [hbm4b:s9+s2], $0xC0, $0x38;
	[tilespmem:$0xC1C0] =	vst v63  }
0x10: {  	_ =	swait.ge [sflag:s3], $0xC0  }
0x11: {  	s11 =	sshrl.u32 s11, $0x3;
	[sflag:s3] =	ssyncset.done $0x0  }
0x12: {  	s11 =	sadd.s32 s16, s11;
	[sflag:s3] =	ssyncadd.s32 $0xFFFFFF40  }
0x13: {  	[hbm4b:s11+s2] =	stream.linear.scatter [tilespmem:s10], [sflag:$0x2], $0xC0, $0x38;
	[tilespmem:$0xC1C0] =	vst v63  }
0x14: {  	_ =	swait.ge [sflag:s3], $0xC0  }
0x15: {  	[sflag:s3] =	ssyncset.done $0x0  }
0x16: {  	s12 =	simm.s32 $0x1;
	[sflag:s3] =	ssyncadd.s32 $0xFFFFFF40  }
0x17: {  	_ =	swait.ge [sflag:s12], $0x6000  }
0x18: {  	[sflag:s12] =	ssyncset.done $0x0  }
0x19: {  	[sflag:s12] =	ssyncadd.s32 $0xFFFFA000  }
0x1a: {  	_ =	swait.ge [sflag:s12], $0x6000  }
0x1b: {  	[sflag:s12] =	ssyncset.done $0x0  }
0x1c: {  	s13 =	sadd.s32 $0x18, s11;
	[sflag:s12] =	ssyncadd.s32 $0xFFFFA000  }
0x1d: {  	[hbm4b:s13+s2] =	stream.linear.scatter [tilespmem:s7], [sflag:$0x2], $0xC000, $0x38;
	[tilespmem:$0xC1C0] =	vst v63  }
0x1e: {  	s18 =	sshllo.u32 s14, $0x1;
	_ =	swait.ge [sflag:s3], $0xC000  }
0x1f: {  	s14 =	sshll.u32 s18, $0x5;
	[sflag:s3] =	ssyncset.done $0x0  }
0x20: {  	s14 =	sadd.s32 s15, s14;
	[sflag:s3] =	ssyncadd.s32 $0xFFFF4000  }
0x21: {  	[tilespmem:s2], [sflag:$0x2] =	stream.linear.gather [hbm4b:s14+s2], $0x100, $0x38;
	[tilespmem:$0xC1C0] =	vst v63  }
0x22: {  	_ =	swait.ge [sflag:s3], $0x100  }
0x23: {  	[sflag:s3] =	ssyncset.done $0x0  }
0x24: {  	[sflag:s3] =	ssyncadd.s32 $0xFFFFFF00  }
0x25: {  	[tilespmem:s7], [sflag:$0x1] =	stream.indirect.gather [hbm4b:s5+s6], $0xC0, s2, s6, $0xb8;
	[tilespmem:$0xC1C0] =	vst v63  }
0x26: {  	s30 =	smul.u32 $0x6018, s18  }
0x27: {  	[tilespmem:s8], [sflag:$0x1] =	stream.indirect.gather [hbm4b:s5+s6], $0xC0, s6, s6, $0xb8;
	[tilespmem:$0xC1C0] =	vst v63  }
0x28: {  	s18 =	smul.u32 $0xC0C0, s18;
	s15 =	sadd.s32 s5, s30  }
0x29: {  	[tilespmem:s10], [sflag:$0x2] =	stream.linear.gather [hbm4b:s15+s2], $0xC0, $0x38;
	[tilespmem:$0xC1C0] =	vst v63  }
0x2a: {  	_ =	swait.ge [sflag:s3], $0xC0  }
0x2b: {  	s18 =	sshrl.u32 s18, $0x3;
	[sflag:s3] =	ssyncset.done $0x0  }
0x2c: {  	s16 =	sadd.s32 s16, s18;
	[sflag:s3] =	ssyncadd.s32 $0xFFFFFF40  }
0x2d: {  	[hbm4b:s16+s2] =	stream.linear.scatter [tilespmem:s10], [sflag:$0x2], $0xC0, $0x38;
	[tilespmem:$0xC1C0] =	vst v63  }
0x2e: {  	_ =	swait.ge [sflag:s3], $0xC0  }
0x2f: {  	[sflag:s3] =	ssyncset.done $0x0  }
0x30: {  	s17 =	ssub.s32 $0x2, s17;
	[sflag:s3] =	ssyncadd.s32 $0xFFFFFF40  }
0x31: {  	s31 =	sshrl.u32 s17, $0x1;
	_ =	swait.ge [sflag:s12], $0x6000  }
0x32: {  	s18 =	ssub.s32 s17, s31;
	[sflag:s12] =	ssyncset.done $0x0  }
0x33: {  	s18 =	smax.u32 s18, $0x1;
	[sflag:s12] =	ssyncadd.s32 $0xFFFFA000  }
0x34: {  	p0 =	sne.s32 s18, $0x1;
	_ =	swait.ge [sflag:s12], $0x6000  }
.Ltmp0:
0x35: {  	[sflag:s12] =	ssyncset.done $0x0;
	(pc) =	sbr.rel @!p0 .LBB2_2-.Ltmp0, $4  }
0x36: {  	s17 =	sadd.s32 $0x18, s16;
	[sflag:s12] =	ssyncadd.s32 $0xFFFFA000  }
0x37: {  	[hbm4b:s17+s2] =	stream.linear.scatter [tilespmem:s7], [sflag:$0x2], $0xC000, $0x38;
	[tilespmem:$0xC1C0] =	vst v63  }
0x38: {  	_ =	swait.ge [sflag:s3], $0xC000  }
0x39: {  	s18 =	sadd.s32 $0xFFFFFFFF, s18;
	[sflag:s3] =	ssyncset.done $0x0  }
.LBB2_1:
0x3a: {  	p0 =	sne.s32 s18, $0x1;
	s18 =	sadd.s32 $0xFFFFFFFF, s18;
	[sflag:s3] =	ssyncadd.s32 $0xFFFF4000  }
0x3b: {  	[tilespmem:s2], [sflag:$0x2] =	stream.linear.gather [hbm4b:s4+s2], $0x100, $0x38;
	[tilespmem:$0xC1C0] =	vst v63  }
0x3c: {  	_ =	swait.ge [sflag:s3], $0x100  }
0x3d: {  	[sflag:s3] =	ssyncset.done $0x0  }
0x3e: {  	[sflag:s3] =	ssyncadd.s32 $0xFFFFFF00  }
0x3f: {  	[tilespmem:s7], [sflag:$0x1] =	stream.indirect.gather [hbm4b:s5+s6], $0xC0, s2, s6, $0xb8;
	[tilespmem:$0xC1C0] =	vst v63  }
0x40: {  	_ = 	snop  }
0x41: {  	[tilespmem:s8], [sflag:$0x1] =	stream.indirect.gather [hbm4b:s5+s6], $0xC0, s6, s6, $0xb8;
	[tilespmem:$0xC1C0] =	vst v63  }
0x42: {  	_ = 	snop  }
0x43: {  	[tilespmem:s10], [sflag:$0x2] =	stream.linear.gather [hbm4b:s9+s2], $0xC0, $0x38;
	[tilespmem:$0xC1C0] =	vst v63  }
0x44: {  	_ =	swait.ge [sflag:s3], $0xC0  }
0x45: {  	[sflag:s3] =	ssyncset.done $0x0  }
0x46: {  	[sflag:s3] =	ssyncadd.s32 $0xFFFFFF40  }
0x47: {  	[hbm4b:s11+s2] =	stream.linear.scatter [tilespmem:s10], [sflag:$0x2], $0xC0, $0x38;
	[tilespmem:$0xC1C0] =	vst v63  }
0x48: {  	_ =	swait.ge [sflag:s3], $0xC0  }
0x49: {  	[sflag:s3] =	ssyncset.done $0x0  }
0x4a: {  	[sflag:s3] =	ssyncadd.s32 $0xFFFFFF40  }
0x4b: {  	_ =	swait.ge [sflag:s12], $0x6000  }
0x4c: {  	[sflag:s12] =	ssyncset.done $0x0  }
0x4d: {  	[sflag:s12] =	ssyncadd.s32 $0xFFFFA000  }
0x4e: {  	_ =	swait.ge [sflag:s12], $0x6000  }
0x4f: {  	[sflag:s12] =	ssyncset.done $0x0  }
0x50: {  	[sflag:s12] =	ssyncadd.s32 $0xFFFFA000  }
0x51: {  	[hbm4b:s13+s2] =	stream.linear.scatter [tilespmem:s7], [sflag:$0x2], $0xC000, $0x38;
	[tilespmem:$0xC1C0] =	vst v63  }
0x52: {  	_ =	swait.ge [sflag:s3], $0xC000  }
0x53: {  	[sflag:s3] =	ssyncset.done $0x0  }
0x54: {  	[sflag:s3] =	ssyncadd.s32 $0xFFFF4000  }
0x55: {  	[tilespmem:s2], [sflag:$0x2] =	stream.linear.gather [hbm4b:s14+s2], $0x100, $0x38;
	[tilespmem:$0xC1C0] =	vst v63  }
0x56: {  	_ =	swait.ge [sflag:s3], $0x100  }
0x57: {  	[sflag:s3] =	ssyncset.done $0x0  }
0x58: {  	[sflag:s3] =	ssyncadd.s32 $0xFFFFFF00  }
0x59: {  	[tilespmem:s7], [sflag:$0x1] =	stream.indirect.gather [hbm4b:s5+s6], $0xC0, s2, s6, $0xb8;
	[tilespmem:$0xC1C0] =	vst v63  }
0x5a: {  	_ = 	snop  }
0x5b: {  	[tilespmem:s8], [sflag:$0x1] =	stream.indirect.gather [hbm4b:s5+s6], $0xC0, s6, s6, $0xb8;
	[tilespmem:$0xC1C0] =	vst v63  }
0x5c: {  	_ = 	snop  }
0x5d: {  	[tilespmem:s10], [sflag:$0x2] =	stream.linear.gather [hbm4b:s15+s2], $0xC0, $0x38;
	[tilespmem:$0xC1C0] =	vst v63  }
0x5e: {  	_ =	swait.ge [sflag:s3], $0xC0  }
0x5f: {  	[sflag:s3] =	ssyncset.done $0x0  }
0x60: {  	[sflag:s3] =	ssyncadd.s32 $0xFFFFFF40  }
0x61: {  	[hbm4b:s16+s2] =	stream.linear.scatter [tilespmem:s10], [sflag:$0x2], $0xC0, $0x38;
	[tilespmem:$0xC1C0] =	vst v63  }
0x62: {  	_ =	swait.ge [sflag:s3], $0xC0  }
0x63: {  	[sflag:s3] =	ssyncset.done $0x0  }
0x64: {  	[sflag:s3] =	ssyncadd.s32 $0xFFFFFF40  }
0x65: {  	_ =	swait.ge [sflag:s12], $0x6000  }
0x66: {  	[sflag:s12] =	ssyncset.done $0x0  }
0x67: {  	[sflag:s12] =	ssyncadd.s32 $0xFFFFA000  }
0x68: {  	_ =	swait.ge [sflag:s12], $0x6000  }
.Ltmp1:
0x69: {  	[sflag:s12] =	ssyncset.done $0x0;
	(pc) =	sbr.rel @p0 .LBB2_1-.Ltmp1, $4  }
0x6a: {  	[sflag:s12] =	ssyncadd.s32 $0xFFFFA000  }
0x6b: {  	[hbm4b:s17+s2] =	stream.linear.scatter [tilespmem:s7], [sflag:$0x2], $0xC000, $0x38;
	[tilespmem:$0xC1C0] =	vst v63  }
0x6c: {  	_ =	swait.ge [sflag:s3], $0xC000  }
0x6d: {  	[sflag:s3] =	ssyncset.done $0x0  }
.LBB2_2:
0x6e: {  	[sflag:s3] =	ssyncadd.s32 $0xFFFF4000  }
0x6f: {  	_ =	sfence.sel $0x180000  }
0x70: {  	[bflag:$0x0] =	sbarrier.arrive $0xFFFF  }
0x71: {  	p0 =	sne.s32 s0, $0x0;
	_ =	strace $0x9000004A  }
0x72: {  	s0 =	sadd.s32 @!p0 $0x100000, s1;
	[bflag:$0x2] =	sbarrier.arrive $0xFFFF  }
0x73: {  	[sflag:s0] =	ssyncadd.tile.s32 @!p0 $0x1;
	_ =	shalt  }
.Lfunc_end2:
_tile_overlayer_lowered:
.L_overlay_start_2:
0x74: {  	(tag) =	ssettag $0x2  }
0x75: {  	s0 =	rddreg [dreg:$0x0];
	s2 =	stileid.u32  }
0x76: {  	s1 =	rddreg [dreg:$0x1];
	p0 =	sne.s32 s2, $0x0  }
0x77: {  	s3 =	rddreg [dreg:$0x2];
	[bflag:$0x3] =	sbarrier.arrive $0xFFFF;
	s2 =	simm.s32 @!p0 $0x1C02  }
0x78: {  	[timem:s3], [sflag:s2] =	dma.local @!p0 [hbm:s0], s1  }
0x79: {  	s0 =	simm.s32 @!p0 $0x2  }
0x7a: {  	_ =	swait.ge @!p0 [sflag:s0], s1  }
0x7b: {  	s1 =	ssub.s32 @!p0 $0x0, s1;
	[sflag:s0] =	ssyncset.done @!p0 $0x0  }
0x7c: {  	[sflag:s0] =	ssyncadd.s32 @!p0 s1  }
0x7d: {  	[bflag:$0x3] =	sbarrier.arrive $0xFFFF  }
0x7e: {  	_ =	shalt  }

// kernel: sparse-core-data-format-call.cloned.1.call-start
scs
called_computation_lowered:
.L_overlay_start_0:
0x0: {  	s2 =	sld [smem:$0x3FD9]  }
0x1: {  	s3 =	sld [smem:$0x3FFE];
	_ =	sdelay $0x1  }
0x2: {  	s1 =	srdreg.scid  }
0x3: {  	s0 =	sand.u32 $0x1, s1  }
0x4: {  	s18 =	sshll.u32 s0, $0xA;
	s2 =	sadd.s32 s3, s2  }
0x5: {  	s2 =	sadd.s32 s2, s18  }
0x6: {  	[smem:$0x3FC6] =	sst s2  }
0x7: {  	_ = 	snop  }
0x8: {  	s2 =	sld [smem:$0x3FC9];
	(tm) =	ssettm $0x1  }
0x9: {  	s19 =	sld [smem:$0x3FFB];
	_ =	sdelay $0x3  }
0xa: {  	_ =	strace s19  }
0xb: {  	s3 =	sld [smem:$0x3FFC];
	_ =	sdelay $0x3  }
0xc: {  	_ =	strace s3  }
0xd: {  	s3 =	sld [smem:$0x3FFD];
	_ =	sdelay $0x3  }
0xe: {  	_ =	strace s3  }
0xf: {  	_ =	strace $0x8FFFFFFF  }
0x10: {  	s20 =	sld [smem:$0x3FDB];
	_ =	sdelay $0x1  }
0x11: {  	s4 =	simm.s32 $_scs_section_size  }
0x12: {  	s5 =	simm.s32 $_size__tile_overlayer_lowered;
	s6 =	simm.s32 $_tile_overlayer_lowered  }
0x13: {  	s23 =	simm.s32 $0x1BFF;
	s22 =	sshll.u32 s6, $0x1;
	s3 =	sadd.s32 s4, s20  }
0x14: {  	s7 =	simm.s32 $0x0;
	s21 =	sshll.u32 s5, $0x1;
	s5 =	sadd.s32 s22, s3  }
0x15: {  	[timem:s7], [sflag:s23] =	dma.local [hbm:s5], s21  }
0x16: {  	_ =	swait.ge [sflag:s23], s21  }
0x17: {  	s4 =	ssub.s32 $0x0, s21;
	[sflag:s23] =	ssyncset.done $0x0  }
0x18: {  	[sflag:s23] =	ssyncadd.s32 s4;
	_ =	sdelay $0x1  }
0x19: {  	s24 =	simm.s32 $0x1B8B  }
0x1a: {  	_ =	swait.ge [sflag:s24], $0x1  }
0x1b: {  	[sflag:s24] =	ssyncset.done $0x0  }
0x1c: {  	s26 =	simm.s32 $0x1B8E;
	s25 =	sld [smem:$0x3FFE];
	[sflag:s24] =	ssyncadd.s32 $0xFFFFFFFF  }
0x1d: {  	s27 =	simm.s32 $execute0_lowered;
	[smem:$0x3FD2] =	sst s26  }
0x1e: {  	s5 =	sshll.u32 s27, $0x1;
	_ =	strace $0x80000046;
	[dreg:$0x1] =	wrdreg $0xFFFFFFFF  }
0x1f: {  	s28 =	simm.s32 $_size_execute0_lowered;
	s3 =	sadd.s32 s3, s5;
	[dreg:$0x0] =	wrdreg $0x0  }
0x20: {  	s5 =	sshll.u32 s28, $0x1;
	[dreg:$0x2] =	wrdreg s3  }
0x21: {  	[dreg:$0x3] =	wrdreg s5  }
0x22: {  	[dreg:$0x4] =	wrdreg $0xC0  }
0x23: {  	_ =	task [dreg:s7], $0x5FFFF  }
0x24: {  	[dreg:$0x1] =	wrdreg $0xFFFFFFFF  }
0x25: {  	[dreg:$0x0] =	wrdreg $0x60  }
0x26: {  	[dreg:$0x2] =	wrdreg s2  }
0x27: {  	[dreg:$0x3] =	wrdreg s25  }
0x28: {  	[dreg:$0x4] =	wrdreg $0x9  }
0x29: {  	_ =	task.clear_ibuf [dreg:s7], $0x5FFFF;
	_ =	strace $0x90000046  }
0x2a: {  	s29 =	simm.s32 $0x9;
	_ =	strace $0x80000048  }
0x2b: {  	_ =	swait.ge [sflag:s29], $0x1  }
0x2c: {  	[sflag:s29] =	ssyncadd.s32 $0xFFFFFFFF  }
0x2d: {  	_ =	strace $0x90000048  }
0x2e: {  	_ =	sfence  }
0x2f: {  	s30 =	sld [smem:$0x0];
	_ =	sdelay $0x2  }
0x30: {  	s31 =	sshll.u32 s1, $0xD;
	s1 =	sshrl.u32 s1, $0x2  }
0x31: {  	s3 =	sand.u32 $0x4000, s31;
	s1 =	sadd.s32 s1, s30  }
0x32: {  	s0 =	sor.u32 s3, s0;
	s1 =	sshll.u32 s1, $0x11  }
0x33: {  	s0 =	sor.u32 s1, s0  }
0x34: {  	s0 =	sadd.s32 $0x8F2B, s0  }
0x35: {  	[sflag:s0] =	ssyncadd.remote.s32 $0x1  }
0x36: {  	_ =	sfence.sel $0xFFFF  }
0x37: {  	[dreg:$0x0] =	wrdreg $0xFFFFFFFF;
	(pc) =	sbr.abs _section_cstart, $3  }
0x38: {  	[dreg:$0x1] =	wrdreg $0xFFFFFFFF  }
0x39: {  	_ =	task.clear_ibuf [dreg:s7], $0x2FFFF;
	_ =	strace $0x9FFFFFFF  }
0x3a: {  	(tm) =	ssettm $0x7FFFFFFF  }
0x3b: {  	_ =	shalt  }
tec
execute0_lowered:
.L_overlay_start_1:
0x0: {  	(tag) =	ssettag $0x1  }
0x1: {  	s6 =	rddreg [dreg:$0x0]  }
0x2: {  	s0 =	rddreg [dreg:$0x1]  }
0x3: {  	_ =	strace $0x80000047;
	s30 =	srdreg.scid;
	s2 =	stileid.u32  }
0x4: {  	s1 =	simm.s32 $0x1;
	s31 =	simm.s32 $0x2;
	s15 =	simm.s32 $0x0  }
0x5: {  	s16 =	simm.s32 $0x0;
	s17 =	simm.s32 $0x0;
	s8 =	simm.s32 $0x0  }
.Ltmp0:
0x6: {  	s10 =	simm.s32 $0x0;
	s0 =	sadd.s32 $0xA00, s0;
	(pc) =	sbr.rel .LBB1_1-.Ltmp0, $4  }
0x7: {  	s12 =	simm.s32 $0x0;
	[dreg:$0x3] =	wrdreg s0;
	s0 =	sshll.u32 s30, $0x4  }
0x8: {  	s11 =	simm.s32 $0x0;
	s13 =	simm.s32 $0x0;
	s0 =	sand.u32 $0x10, s0  }
0x9: {  	s9 =	simm.s32 $0x0;
	[sflag:s1] =	ssyncpa.u1 $0x0;
	s7 =	sor.u32 s2, s0  }
0xa: {  	[sflag:s31] =	ssyncpa.u1 $0x0;
	s14 =	smov.u32 s7;
	[dreg:$0x4] =	wrdreg s7  }
.LBB1_14:
0xb: {  	s8 =	rddreg [dreg:$0x5]  }
0xc: {  	s10 =	rddreg [dreg:$0x7]  }
0xd: {  	s4 =	rddreg [dreg:$0x10]  }
0xe: {  	s6 =	rddreg [dreg:$0x11]  }
0xf: {  	s23 =	rddreg [dreg:$0xf]  }
0x10: {  	s12 =	rddreg [dreg:$0x9]  }
0x11: {  	s26 =	rddreg [dreg:$0x3]  }
0x12: {  	s29 =	rddreg [dreg:$0x12]  }
0x13: {  	s7 =	rddreg [dreg:$0x4]  }
0x14: {  	s9 =	rddreg [dreg:$0x6]  }
0x15: {  	s11 =	rddreg [dreg:$0x8]  }
0x16: {  	s13 =	rddreg [dreg:$0xa]  }
0x17: {  	s14 =	rddreg [dreg:$0xb]  }
0x18: {  	s15 =	rddreg [dreg:$0xc]  }
0x19: {  	s16 =	rddreg [dreg:$0xd]  }
0x1a: {  	s31 =	simm.s32 $0x800;
	s17 =	rddreg [dreg:$0xe];
	s0 =	sshll.u32 s8, $0x8  }
0x1b: {  	s1 =	sshll.u32 s10, $0x3;
	s2 =	sshll.u32 s8, $0x7;
	p0 =	sgt.s32 s10, $0x80  }
0x1c: {  	s3 =	smov.u32 s10;
	s24 =	sand.u32 $0x78, s10;
	s25 =	smul.u32 $0x8100, s12  }
0x1d: {  	s27 =	sand.u32 $0x7, s10;
	s0 =	sand.u32 $0xFFFFF800, s0;
	s1 =	sand.u32 $0xFFFFFC00, s1  }
0x1e: {  	s20 =	sand.u32 $0x300, s2;
	s3 =	simm.s32 @!p0 $0x80;
	p0 =	sgt.s32 s8, $0x388  }
0x1f: {  	s2 =	sand.u32 $0x80, s2;
	s28 =	sshll.u32 s27, $0x12;
	s0 =	sadd.s32 s1, s0  }
0x20: {  	s1 =	smov.u32 s8;
	s3 =	sadd.s32 s4, s3;
	s0 =	sor.u32 s20, s0  }
0x21: {  	s1 =	simm.s32 @!p0 $0x388;
	s5 =	sadd.s32 $0xFFFFFF80, s3;
	s0 =	sshrl.u32 s0, $0x8  }
0x22: {  	s3 =	ssub.s32 $0x100, s3;
	p0 =	sgt.s32 s5, $0x7F;
	s21 =	smulhi.u32 $0xFE03F9, s0  }
0x23: {  	s2 =	sor.u32 s24, s2;
	s1 =	sadd.s32 s6, s1;
	s3 =	simm.s32 @p0 $0x0  }
0x24: {  	s22 =	sadd.s32 $0xFFFFFC78, s1;
	s3 =	smul.u32 s23, s3;
	s4 =	sshrl.u32 s21, $0x2  }
0x25: {  	s1 =	ssub.s32 $0x408, s1;
	p0 =	sgt.s32 s22, $0x7F;
	s4 =	smul.u32 $0x408, s4  }
0x26: {  	s30 =	sor.u32 $0x400, s28;
	s2 =	sshrl.u32 s2, $0x3;
	s1 =	simm.s32 @p0 $0x0  }
0x27: {  	s1 =	smul.u32 s1, s3;
	s3 =	sadd.s32 s26, s25;
	s0 =	ssub.s32 s0, s4  }
0x28: {  	s6 =	rddreg [dreg:$0x0];
	s2 =	sadd.s32 s2, s3;
	s0 =	sshll.u32 s0, $0x5  }
0x29: {  	s1 =	sand.u32 $0x3FFFFFFF, s1;
	s4 =	sor.u32 $0x8000, s29;
	s0 =	sadd.s32 s0, s2  }
0x2a: {  	[hbm4b:s0+s30] =	stream.strided.scatter [tilespmem:s4], [sflag:$0x2], s1, s31, s30, $0x20;
	[tilespmem:$0x10100] =	vst v63  }
.LBB1_15:
0x2b: {  	p0 =	slt.u32 s9, $0x2  }
0x2c: {  	p1 =	sgt.s32 @!p0 s17, $0x3F  }
0x2d: {  	s0 =	smov.u32 s17;
	s1 =	sshra.s32 @!p0 s17, $0x1F;
	p1 =	por !p1, p0  }
0x2e: {  	s1 =	sand.u32 @!p0 s1, s17;
	s0 =	simm.s32 @p1 $0x3F  }
0x2f: {  	s3 =	smov.u32 s15;
	s0 =	ssub.s32 @!p0 s0, s1  }
0x30: {  	p2 =	sgt.s32 @!p0 s16, $0x80;
	s2 =	sshra.s32 @!p0 s16, $0x1F;
	s1 =	sadd.s32 @!p0 $0xFFFFFFC1, s0  }
0x31: {  	p2 =	por !p2, p0;
	p1 =	sgt.s32 @!p0 s1, $0x0;
	s1 =	smov.u32 s16  }
0x32: {  	s2 =	sand.u32 @!p0 s2, s16;
	s1 =	simm.s32 @p2 $0x80;
	p2 =	sgt.s32 @!p0 s15, $0x388  }
0x33: {  	s0 =	ssub.s32 @!p0 $0x40, s0;
	p1 =	por !p1, p0;
	p2 =	por !p2, p0  }
0x34: {  	s1 =	ssub.s32 @!p0 s1, s2;
	s2 =	sshra.s32 @!p0 s15, $0x1F;
	s0 =	simm.s32 @!p1 $0x0  }
0x35: {  	s3 =	simm.s32 @p2 $0x388;
	s2 =	sand.u32 @!p0 s2, s15;
	s4 =	sadd.s32 @!p0 $0xFFFFFF80, s1  }
0x36: {  	s1 =	ssub.s32 @!p0 $0x100, s1;
	s2 =	ssub.s32 @!p0 s3, s2;
	p1 =	sgt.s32 @!p0 s4, $0x7F  }
0x37: {  	s4 =	smov.u32 s13;
	s3 =	sadd.s32 @!p0 $0xFFFFFC78, s2;
	p1 =	por !p1, p0  }
0x38: {  	s2 =	ssub.s32 @!p0 $0x408, s2;
	p2 =	sgt.s32 @!p0 s3, $0x7F;
	s1 =	simm.s32 @!p1 $0x0  }
0x39: {  	p1 =	por !p2, p0;
	s0 =	smul.u32 @!p0 s0, s1;
	s1 =	sadd.s32 $0x80, s11  }
0x3a: {  	s3 =	sadd.s32 $0x80, s13;
	s2 =	simm.s32 @!p1 $0x0;
	p1 =	sgt.s32 s1, $0x400  }
0x3b: {  	s0 =	smul.u32 @!p0 s2, s0;
	s4 =	smov.u32 @p1 s3  }
0x3c: {  	s2 =	sadd.s32 $0x20, s14;
	s3 =	smov.u32 s14;
	p2 =	sgt.s32 s4, $0xBF  }
0x3d: {  	s9 =	sadd.s32 $0x1, s9;
	s3 =	smov.u32 @p2 s2  }
0x3e: {  	s17 =	smov.u32 s12;
	s1 =	simm.s32 @p1 $0x0;
	p1 =	sgt.s32 s3, $0x3F  }
0x3f: {  	s12 =	smov.u32 s14;
	s3 =	smov.u32 @p1 s7;
	p1 =	sne.s32 s9, $0x26  }
.Ltmp1:
0x40: {  	s16 =	smov.u32 s10;
	s10 =	smov.u32 s13;
	(pc) =	sbr.rel @!p1 .LBB1_16-.Ltmp1, $4  }
0x41: {  	s15 =	smov.u32 s8;
	s0 =	sand.u32 @!p0 $0x3FFFFFFF, s0;
	s2 =	simm.s32 @!p0 $0x2  }
0x42: {  	s8 =	smov.u32 s11;
	s11 =	smov.u32 s1;
	_ =	swait.ge @!p0 [sflag:s2], s0  }
0x43: {  	s4 =	simm.s32 @p2 $0x0;
	s0 =	ssub.s32 @!p0 $0x0, s0;
	[sflag:s2] =	ssyncset.done @!p0 $0x0  }
0x44: {  	s13 =	smov.u32 s4;
	[sflag:s2] =	ssyncadd.s32 @!p0 s0;
	s14 =	smov.u32 s3  }
.LBB1_1:
0x45: {  	p0 =	sgt.u32 s9, $0x23  }
0x46: {  	s5 =	smov.u32 s11;
	s0 =	sshrl.u32 @!p0 s13, $0x3  }
0x47: {  	s1 =	sshll.u32 @!p0 s11, $0x3;
	p1 =	sgt.s32 @!p0 s14, $0x3F;
	s0 =	smul.u32 @!p0 $0x2400, s0  }
0x48: {  	s2 =	sshra.s32 @!p0 s14, $0x1F;
	s3 =	sshll.u32 @!p0 s13, $0x7;
	s1 =	sand.u32 @!p0 $0xFFFFFC00, s1  }
0x49: {  	p1 =	por !p1, p0;
	s0 =	sadd.s32 @!p0 s0, s1;
	s1 =	smov.u32 s14  }
0x4a: {  	s2 =	sand.u32 @!p0 s2, s14;
	s3 =	sand.u32 @!p0 $0x380, s3;
	s1 =	simm.s32 @p1 $0x3F  }
0x4b: {  	p1 =	sgt.s32 @!p0 s13, $0x40;
	s0 =	sor.u32 @!p0 s3, s0;
	s1 =	ssub.s32 @!p0 s1, s2  }
0x4c: {  	s3 =	smov.u32 s13;
	p1 =	por !p1, p0;
	s2 =	sadd.s32 @!p0 $0xFFFFFFC1, s1  }
0x4d: {  	s3 =	simm.s32 @p1 $0x40;
	p1 =	sgt.s32 @!p0 s2, $0x0;
	s2 =	sshra.s32 @!p0 s13, $0x1F  }
0x4e: {  	s1 =	ssub.s32 @!p0 $0x40, s1;
	p1 =	por !p1, p0;
	s2 =	sand.u32 @!p0 s2, s13  }
0x4f: {  	s1 =	simm.s32 @!p1 $0x0;
	s2 =	ssub.s32 @!p0 s3, s2;
	p1 =	sgt.s32 @!p0 s11, $0x400  }
0x50: {  	s3 =	smulhi.u32 @!p0 $0x38E38E39, s0;
	s4 =	sadd.s32 @!p0 $0xFFFFFFC0, s2;
	p1 =	por !p1, p0  }
0x51: {  	s5 =	simm.s32 @p1 $0x400;
	p1 =	sgt.s32 @!p0 s4, $0x7F;
	s4 =	sshra.s32 @!p0 s11, $0x1F  }
0x52: {  	s2 =	ssub.s32 @!p0 $0xC0, s2;
	p1 =	por !p1, p0;
	s4 =	sand.u32 @!p0 s4, s11  }
0x53: {  	s3 =	sshrl.u32 @!p0 s3, $0x8;
	s4 =	ssub.s32 @!p0 s5, s4;
	s2 =	simm.s32 @!p1 $0x0  }
0x54: {  	s5 =	sand.u32 @!p0 $0x7F, s11;
	s1 =	smul.u32 @!p0 s1, s2;
	s2 =	sadd.s32 @!p0 $0xFFFFFC00, s4  }
0x55: {  	s0 =	sor.u32 @!p0 s5, s0;
	s5 =	smulhi.u32 @!p0 $0x1555556, s3;
	p1 =	sgt.s32 @!p0 s2, $0x7F  }
0x56: {  	s4 =	ssub.s32 @!p0 $0x480, s4;
	s2 =	smulhi.u32 @!p0 $0x38E38E39, s0;
	p1 =	por !p1, p0  }
0x57: {  	s5 =	smul.u32 @!p0 $0xC0, s5;
	s4 =	simm.s32 @!p1 $0x0  }
0x58: {  	s2 =	sshrl.u32 @!p0 s2, $0x8;
	s1 =	smul.u32 @!p0 s4, s1  }
0x59: {  	s4 =	sxor.u32 @!p0 $0xFFFFFFFF, s9;
	s2 =	smul.u32 @!p0 $0x480, s2  }
0x5a: {  	s3 =	ssub.s32 @!p0 s3, s5;
	s5 =	smul.u32 @!p0 $0x6C00, s14;
	s4 =	sshll.u32 @!p0 s4, $0xE  }
0x5b: {  	s4 =	sand.u32 @!p0 $0x4000, s4;
	s0 =	ssub.s32 @!p0 s0, s2;
	s2 =	smul.u32 @!p0 $0x90, s3  }
0x5c: {  	s1 =	sand.u32 @!p0 $0x3FFFFFFF, s1;
	s3 =	sadd.s32 @!p0 s6, s5;
	s5 =	sand.u32 @!p0 $0x7, s0  }
0x5d: {  	s0 =	sshrl.u32 @!p0 s0, $0x3;
	s2 =	sadd.s32 @!p0 s2, s3;
	s3 =	sshll.u32 @!p0 s5, $0x12  }
0x5e: {  	s0 =	sadd.s32 @!p0 s0, s2;
	s2 =	sor.u32 @!p0 $0x400, s3;
	s3 =	simm.s32 @!p0 $0x2400  }
0x5f: {  	[tilespmem:s4], [sflag:$0x1] =	stream.strided.gather @!p0 [hbm4b:s0+s2], s1, s3, s2, $0x38;
	[tilespmem:$0x10100] =	vst v63  }
0x60: {  	p0 =	seq.s32 s9, $0x0  }
0x61: {  	p1 =	seq.s32 @!p0 s9, $0x25  }
0x62: {  	p0 =	por p0, p1  }
.Ltmp2:
0x63: {  	_ = 	snop;
	(pc) =	sbr.rel @p0 .LBB1_15-.Ltmp2, $1  }
0x64: {  	_ =	sdelay $0x3  }
0x65: {  	[dreg:$0xe] =	wrdreg s17  }
0x66: {  	[dreg:$0xd] =	wrdreg s16  }
0x67: {  	[dreg:$0xc] =	wrdreg s15  }
0x68: {  	[dreg:$0xb] =	wrdreg s14  }
0x69: {  	[dreg:$0xa] =	wrdreg s13  }
0x6a: {  	[dreg:$0x8] =	wrdreg s11  }
0x6b: {  	p0 =	sgt.s32 s12, $0x3F;
	s0 =	smov.u32 s12;
	s1 =	sshra.s32 s12, $0x1F  }
0x6c: {  	s25 =	ssub.s32 $0x0, s10;
	s2 =	sshra.s32 s10, $0x1F;
	s3 =	smov.u32 s10  }
0x6d: {  	p1 =	sgt.s32 s8, $0x400;
	s27 =	ssub.s32 $0x0, s8;
	[dreg:$0x5] =	wrdreg s8  }
0x6e: {  	s28 =	sshra.s32 s8, $0x1F;
	s0 =	simm.s32 @!p0 $0x3F;
	s1 =	sand.u32 s1, s12  }
0x6f: {  	p0 =	sgt.s32 s10, $0x40;
	s29 =	sand.u32 s27, s28;
	s0 =	ssub.s32 s0, s1  }
0x70: {  	s1 =	sand.u32 s25, s2;
	s3 =	simm.s32 @!p0 $0x40;
	s2 =	smov.u32 s8  }
0x71: {  	s4 =	sadd.s32 $0xFFFFFFC1, s0;
	[dreg:$0x10] =	wrdreg s1;
	s1 =	sadd.s32 s1, s3  }
0x72: {  	s5 =	ssub.s32 $0x40, s0;
	s2 =	simm.s32 @!p1 $0x400;
	p0 =	sgt.s32 s4, $0x0  }
0x73: {  	s26 =	sadd.s32 $0xFFFFFFC0, s1;
	s0 =	ssub.s32 $0xC0, s1;
	s1 =	sadd.s32 s29, s2  }
0x74: {  	[dreg:$0x9] =	wrdreg s12;
	s5 =	simm.s32 @p0 $0x0;
	s2 =	sadd.s32 $0xFFFFFC00, s1  }
0x75: {  	s1 =	ssub.s32 $0x480, s1;
	p0 =	sgt.s32 s2, $0x7F;
	s2 =	sadd.s32 $0x1, s12  }
0x76: {  	s3 =	sadd.s32 $0x80, s10;
	s1 =	simm.s32 @p0 $0x0;
	p0 =	slt.s32 s2, $0x40  }
0x77: {  	p1 =	sgt.s32 s26, $0x7F;
	s2 =	simm.s32 @!p0 $0x40;
	p0 =	slt.s32 s3, $0xC0  }
0x78: {  	s0 =	simm.s32 @p1 $0x0;
	s21 =	ssub.s32 s2, s12;
	s3 =	simm.s32 @!p0 $0xC0  }
0x79: {  	s0 =	smul.u32 s5, s0;
	s22 =	ssub.s32 s3, s10;
	p0 =	slt.s32 s21, $0x1  }
0x7a: {  	[dreg:$0x7] =	wrdreg s10;
	p1 =	slt.s32 @!p0 s22, $0x1  }
0x7b: {  	[dreg:$0x6] =	wrdreg s9;
	s0 =	smul.u32 s1, s0;
	p1 =	por p0, p1  }
.Ltmp3:
0x7c: {  	s30 =	simm.s32 $0x1;
	[dreg:$0x11] =	wrdreg s29;
	(pc) =	sbr.rel @p1 .LBB1_14-.Ltmp3, $4  }
0x7d: {  	[dreg:$0xf] =	wrdreg s5;
	s1 =	sand.u32 $0x3FFFFFFF, s0;
	s0 =	sand.u32 $0x1, s9  }
0x7e: {  	_ =	swait.ge [sflag:s30], s1;
	s31 =	smul.u32 $0x4080, s0  }
0x7f: {  	s1 =	ssub.s32 $0x0, s1;
	[sflag:s30] =	ssyncset.done $0x0  }
0x80: {  	[sflag:s30] =	ssyncadd.s32 s1;
	[dreg:$0x12] =	wrdreg s31  }
0x81: {  	s2 =	rddreg [dreg:$0x5]  }
0x82: {  	s1 =	sadd.s32 $0x80, s2  }
0x83: {  	p1 =	slt.s32 s1, $0x401  }
.Ltmp4:
0x84: {  	s1 =	simm.s32 @!p1 $0x401;
	(pc) =	sbr.rel .LBB1_4-.Ltmp4, $4  }
0x85: {  	s25 =	sshll.u32 @!p0 s0, $0xE;
	s0 =	rddreg [dreg:$0x12];
	s1 =	ssub.s32 s1, s2  }
0x86: {  	s28 =	simm.s32 $0x0;
	s26 =	sor.u32 @!p0 $0x8000, s0;
	s1 =	sadd.s32 $0xF, s1  }
0x87: {  	s23 =	sand.u32 $0xFFFFFFF0, s1;
	s24 =	sand.u32 @!p0 $0xFFFFFF00, s1;
	s31 =	sshll.u32 s1, $0x3  }
0x88: {  	p0 =	slt.s32 s1, $0x100;
	s27 =	sand.u32 $0xFFFFF800, s31;
	p1 =	sge.s32 s24, s23  }
.LBB1_13:
0x89: {  	s28 =	sadd.s32 $0x1, s28  }
0x8a: {  	p2 =	sne.s32 s28, s21  }
.Ltmp5:
0x8b: {  	_ = 	snop;
	(pc) =	sbr.rel @!p2 .LBB1_14-.Ltmp5, $1  }
0x8c: {  	_ =	sdelay $0x3  }
.LBB1_4:
.Ltmp6:
0x8d: {  	(pc) =	sbr.rel .LBB1_5-.Ltmp6, $4  }
0x8e: {  	s1 =	smul.u32 $0x10200, s28  }
0x8f: {  	s0 =	sshll.u32 s28, $0x10  }
0x90: {  	s31 =	simm.s32 $0x400;
	s0 =	sshra.s32 s0, $0x2;
	s20 =	sshra.s32 s1, $0x2  }
0x91: {  	s29 =	sadd.s32 s0, s25;
	s0 =	simm.s32 $0x0;
	s30 =	sadd.s32 s20, s26  }
.LBB1_12:
0x92: {  	s0 =	sadd.s32 $0x1, s0  }
0x93: {  	p2 =	sne.s32 s0, s22  }
.Ltmp7:
0x94: {  	_ = 	snop;
	(pc) =	sbr.rel @!p2 .LBB1_13-.Ltmp7, $2  }
0x95: {  	_ =	sdelay $0x2  }
0x96: {  	s31 =	sadd.s32 $0x80, s31  }
.LBB1_5:
.Ltmp8:
0x97: {  	(pc) =	sbr.rel @p0 .LBB1_9-.Ltmp8, $2  }
0x98: {  	_ =	sdelay $0x2  }
0x99: {  	s1 =	sshll.u32 s0, $0x7;
	s6 =	sand.u32 $0x7F, s0  }
0x9a: {  	s9 =	sshll.u32 s0, $0x3  }
0x9b: {  	s5 =	sand.u32 $0x380, s1;
	s7 =	sshrl.u32 s9, $0x7;
	s2 =	sadd.s32 $0x800, s9  }
0x9c: {  	s11 =	sadd.s32 $0x1000, s9;
	s10 =	sadd.s32 s5, s29;
	s15 =	sadd.s32 $0x1800, s9  }
0x9d: {  	s13 =	sadd.s32 $0x2800, s9;
	s19 =	sadd.s32 $0x3000, s9;
	s9 =	sadd.s32 $0x3800, s9  }
0x9e: {  	s4 =	sand.u32 $0x78, s7;
	s2 =	sshrl.u32 s2, $0x7;
	s14 =	sshrl.u32 s11, $0x7  }
0x9f: {  	s11 =	sshrl.u32 s15, $0x7;
	s3 =	smul.u32 $0x204, s4;
	s2 =	sand.u32 $0x78, s2  }
0xa0: {  	s18 =	sshrl.u32 s13, $0x7;
	s5 =	sand.u32 $0x78, s14;
	s2 =	smul.u32 $0x204, s2  }
0xa1: {  	s8 =	sshrl.u32 s19, $0x7;
	s11 =	sand.u32 $0x78, s11;
	s5 =	smul.u32 $0x204, s5  }
0xa2: {  	s9 =	sshrl.u32 s9, $0x7;
	s4 =	sxor.u32 $0x40, s4;
	s11 =	smul.u32 $0x204, s11  }
0xa3: {  	s13 =	sadd.s32 $0x10, s7;
	s9 =	sand.u32 $0x78, s9;
	s16 =	smul.u32 $0x204, s4  }
0xa4: {  	v0 =	vmov s10;
	s10 =	sand.u32 $0x3C00, s31;
	s14 =	sadd.s32 $0x20, s7;
	s9 =	smul.u32 $0x204, s9  }
0xa5: {  	s15 =	sand.u32 $0x78, s14;
	s14 =	sadd.s32 $0x60, s7;
	s3 =	sshrl.u32 s3, $0x2  }
0xa6: {  	s14 =	sand.u32 $0x78, s14;
	s3 =	sadd.s32 s3, s30;
	s2 =	sshrl.u32 s2, $0x2  }
0xa7: {  	s5 =	sshrl.u32 s5, $0x2;
	s17 =	sshrl.u32 s11, $0x2;
	s11 =	sand.u32 $0x78, s18  }
0xa8: {  	s9 =	sshrl.u32 s9, $0x2;
	s12 =	sadd.s32 s2, s30;
	s2 =	sadd.s32 s6, s3  }
0xa9: {  	s5 =	sadd.s32 s5, s30;
	s11 =	smul.u32 $0x204, s11;
	s9 =	sadd.s32 s9, s30  }
0xaa: {  	s3 =	sadd.s32 s6, s12;
	s4 =	sadd.s32 s6, s5;
	s12 =	sshrl.u32 s16, $0x2  }
0xab: {  	s5 =	sadd.s32 s17, s30;
	s16 =	sadd.s32 $0x30, s7;
	s12 =	sadd.s32 s12, s30  }
0xac: {  	s20 =	sadd.s32 s6, s5;
	s11 =	sshrl.u32 s11, $0x2;
	s5 =	sadd.s32 s6, s12  }
0xad: {  	s12 =	sand.u32 $0x78, s8;
	s11 =	sadd.s32 s11, s30;
	s8 =	sadd.s32 $0x50, s7  }
0xae: {  	s12 =	smul.u32 $0x204, s12;
	s18 =	sadd.s32 s6, s11;
	s11 =	sand.u32 $0x78, s13  }
0xaf: {  	s7 =	sadd.s32 $0x70, s7;
	s13 =	sand.u32 $0x78, s8;
	s11 =	smul.u32 $0x204, s11  }
0xb0: {  	s7 =	sand.u32 $0x78, s7;
	s13 =	smul.u32 $0x204, s13;
	s12 =	sshrl.u32 s12, $0x2  }
0xb1: {  	s17 =	sadd.s32 s6, s9;
	s7 =	smul.u32 $0x204, s7;
	s12 =	sadd.s32 s12, s30  }
0xb2: {  	s11 =	sshrl.u32 s11, $0x2;
	s19 =	sadd.s32 s6, s12;
	s12 =	smul.u32 $0x204, s15  }
0xb3: {  	s9 =	sadd.s32 s11, s30;
	s11 =	sand.u32 $0x78, s16;
	s16 =	smul.u32 $0x204, s14  }
0xb4: {  	v1 =	vld.idx.msk [tilespmem:v0+s10+$0x0 ss:$0x1], $0xffff;
	s11 =	smul.u32 $0x204, s11  }
0xb5: {  	s13 =	sshrl.u32 s13, $0x2;
	s7 =	sshrl.u32 s7, $0x2;
	s12 =	sshrl.u32 s12, $0x2  }
0xb6: {  	s16 =	sshrl.u32 s16, $0x2;
	s11 =	sshrl.u32 s11, $0x2;
	s12 =	sadd.s32 s12, s30  }
0xb7: {  	s15 =	sadd.s32 s11, s30;
	s11 =	sadd.s32 s6, s9;
	s14 =	sadd.s32 s6, s12  }
0xb8: {  	s9 =	sadd.s32 s13, s30;
	s12 =	sadd.s32 s16, s30;
	s13 =	sadd.s32 $0xFFFFFC00, s31  }
0xb9: {  	[tilespmem:s2+$0x0 ss:$0x81] =	vst.msk $0xffff, v1;
	v1 =	vld.idx.msk [tilespmem:v0+s10+$0x20 ss:$0x1], $0xffff;
	s8 =	sadd.s32 s7, s30;
	s7 =	sadd.s32 s6, s12;
	s12 =	sand.u32 $0x3C00, s13  }
0xba: {  	v2 =	vld.idx.msk [tilespmem:v0+s12+$0x70 ss:$0x1], $0xffff  }
0xbb: {  	v3 =	vld.idx.msk [tilespmem:v0+s12+$0x0 ss:$0x1], $0xffff  }
0xbc: {  	v4 =	vld.idx.msk [tilespmem:v0+s12+$0x10 ss:$0x1], $0xffff  }
0xbd: {  	v5 =	vld.idx.msk [tilespmem:v0+s12+$0x20 ss:$0x1], $0xffff  }
0xbe: {  	v6 =	vld.idx.msk [tilespmem:v0+s12+$0x30 ss:$0x1], $0xffff  }
0xbf: {  	v7 =	vld.idx.msk [tilespmem:v0+s12+$0x40 ss:$0x1], $0xffff;
	[tilespmem:s17+$0x0 ss:$0x81] =	vst.msk $0xffff, v2  }
0xc0: {  	v8 =	vld.idx.msk [tilespmem:v0+s12+$0x50 ss:$0x1], $0xffff;
	[tilespmem:s2+$0x0 ss:$0x81] =	vst.msk $0xffff, v3  }
0xc1: {  	p2 =	sgt.s32 s24, $0x100;
	v9 =	vld.idx.msk [tilespmem:v0+s12+$0x60 ss:$0x1], $0xffff;
	[tilespmem:s3+$0x0 ss:$0x81] =	vst.msk $0xffff, v4  }
.Ltmp9:
0xc2: {  	v4 =	vld.idx.msk [tilespmem:v0+s10+$0x10 ss:$0x1], $0xffff;
	[tilespmem:s4+$0x0 ss:$0x81] =	vst.msk $0xffff, v5;
	(pc) =	sbr.rel @!p2 .LBB1_8-.Ltmp9, $4  }
0xc3: {  	[tilespmem:s20+$0x0 ss:$0x81] =	vst.msk $0xffff, v6;
	v2 =	vld.idx.msk [tilespmem:v0+s10+$0x30 ss:$0x1], $0xffff  }
0xc4: {  	[tilespmem:s5+$0x0 ss:$0x81] =	vst.msk $0xffff, v7;
	v3 =	vld.idx.msk [tilespmem:v0+s10+$0x40 ss:$0x1], $0xffff  }
0xc5: {  	s15 =	sadd.s32 s6, s15;
	s16 =	sadd.s32 s6, s9;
	[tilespmem:s18+$0x0 ss:$0x81] =	vst.msk $0xffff, v8;
	v5 =	vld.idx.msk [tilespmem:v0+s10+$0x50 ss:$0x1], $0xffff  }
0xc6: {  	s9 =	sadd.s32 s6, s8;
	s13 =	simm.s32 $0x100;
	s12 =	sadd.s32 $0x800, s31;
	[tilespmem:s19+$0x0 ss:$0x81] =	vst.msk $0xffff, v9;
	v6 =	vld.idx.msk [tilespmem:v0+s10+$0x60 ss:$0x1], $0xffff  }
.LBB1_7:
0xc7: {  	s8 =	sadd.s32 $0xFFFFFC00, s12;
	s13 =	sadd.s32 $0x100, s13;
	[tilespmem:s11+$0x0 ss:$0x81] =	vst.msk $0xffff, v4;
	v4 =	vld.idx.msk [tilespmem:v0+s10+$0x70 ss:$0x1], $0xffff;
	s10 =	sand.u32 $0x3C00, s12  }
0xc8: {  	s8 =	sand.u32 $0x3C00, s8;
	v7 =	vld.idx.msk [tilespmem:v0+s10+$0x0 ss:$0x1], $0xffff;
	p2 =	slt.s32 s13, s24;
	[tilespmem:s14+$0x0 ss:$0x81] =	vst.msk $0xffff, v1  }
0xc9: {  	v1 =	vld.idx.msk [tilespmem:v0+s8+$0x70 ss:$0x1], $0xffff;
	[tilespmem:s15+$0x0 ss:$0x81] =	vst.msk $0xffff, v2  }
0xca: {  	v2 =	vld.idx.msk [tilespmem:v0+s8+$0x0 ss:$0x1], $0xffff;
	[tilespmem:s5+$0x0 ss:$0x81] =	vst.msk $0xffff, v3  }
0xcb: {  	v3 =	vld.idx.msk [tilespmem:v0+s8+$0x10 ss:$0x1], $0xffff;
	[tilespmem:s16+$0x0 ss:$0x81] =	vst.msk $0xffff, v5  }
0xcc: {  	v5 =	vld.idx.msk [tilespmem:v0+s8+$0x20 ss:$0x1], $0xffff;
	[tilespmem:s7+$0x0 ss:$0x81] =	vst.msk $0xffff, v6  }
0xcd: {  	v6 =	vld.idx.msk [tilespmem:v0+s8+$0x30 ss:$0x1], $0xffff;
	[tilespmem:s9+$0x0 ss:$0x81] =	vst.msk $0xffff, v4  }
0xce: {  	v8 =	vld.idx.msk [tilespmem:v0+s8+$0x40 ss:$0x1], $0xffff;
	[tilespmem:s2+$0x0 ss:$0x81] =	vst.msk $0xffff, v7  }
0xcf: {  	v7 =	vld.idx.msk [tilespmem:v0+s8+$0x50 ss:$0x1], $0xffff;
	[tilespmem:s17+$0x0 ss:$0x81] =	vst.msk $0xffff, v1  }
0xd0: {  	[tilespmem:s2+$0x0 ss:$0x81] =	vst.msk $0xffff, v2;
	v9 =	vld.idx.msk [tilespmem:v0+s8+$0x60 ss:$0x1], $0xffff  }
0xd1: {  	[tilespmem:s3+$0x0 ss:$0x81] =	vst.msk $0xffff, v3;
	v4 =	vld.idx.msk [tilespmem:v0+s10+$0x10 ss:$0x1], $0xffff  }
.Ltmp10:
0xd2: {  	[tilespmem:s4+$0x0 ss:$0x81] =	vst.msk $0xffff, v5;
	v1 =	vld.idx.msk [tilespmem:v0+s10+$0x20 ss:$0x1], $0xffff;
	(pc) =	sbr.rel @p2 .LBB1_7-.Ltmp10, $4  }
0xd3: {  	[tilespmem:s20+$0x0 ss:$0x81] =	vst.msk $0xffff, v6;
	v2 =	vld.idx.msk [tilespmem:v0+s10+$0x30 ss:$0x1], $0xffff  }
0xd4: {  	[tilespmem:s5+$0x0 ss:$0x81] =	vst.msk $0xffff, v8;
	v3 =	vld.idx.msk [tilespmem:v0+s10+$0x40 ss:$0x1], $0xffff  }
0xd5: {  	[tilespmem:s18+$0x0 ss:$0x81] =	vst.msk $0xffff, v7;
	v5 =	vld.idx.msk [tilespmem:v0+s10+$0x50 ss:$0x1], $0xffff  }
0xd6: {  	s12 =	sadd.s32 $0x800, s12;
	[tilespmem:s19+$0x0 ss:$0x81] =	vst.msk $0xffff, v9;
	v6 =	vld.idx.msk [tilespmem:v0+s10+$0x60 ss:$0x1], $0xffff  }
.LBB1_8:
0xd7: {  	_ =	sdelay $0x2  }
0xd8: {  	[tilespmem:s11+$0x0 ss:$0x81] =	vst.msk $0xffff, v4  }
0xd9: {  	v0 =	vld.idx.msk [tilespmem:v0+s10+$0x70 ss:$0x1], $0xffff;
	[tilespmem:s14+$0x0 ss:$0x81] =	vst.msk $0xffff, v1  }
0xda: {  	[tilespmem:s15+$0x0 ss:$0x81] =	vst.msk $0xffff, v2  }
0xdb: {  	[tilespmem:s5+$0x0 ss:$0x81] =	vst.msk $0xffff, v3  }
0xdc: {  	[tilespmem:s16+$0x0 ss:$0x81] =	vst.msk $0xffff, v5  }
0xdd: {  	[tilespmem:s7+$0x0 ss:$0x81] =	vst.msk $0xffff, v6  }
0xde: {  	[tilespmem:s9+$0x0 ss:$0x81] =	vst.msk $0xffff, v0  }
.LBB1_9:
.Ltmp11:
0xdf: {  	(pc) =	sbr.rel @p1 .LBB1_12-.Ltmp11, $1  }
0xe0: {  	_ =	sdelay $0x3  }
0xe1: {  	s3 =	sand.u32 $0x380, s1;
	s2 =	sshrl.u32 s0, $0x4;
	s4 =	sadd.s32 s6, s30  }
0xe2: {  	s5 =	smov.u32 s27;
	s6 =	smov.u32 s24;
	s3 =	sadd.s32 s3, s29  }
.LBB1_11:
0xe3: {  	s7 =	sand.u32 $0x3C00, s5  }
0xe4: {  	s7 =	sadd.s32 s1, s7  }
0xe5: {  	s7 =	sand.u32 $0x3C00, s7  }
0xe6: {  	s8 =	sand.u32 $0x70, s6;
	s19 =	sadd.s32 s6, s2;
	s7 =	sadd.s32 s7, s3  }
0xe7: {  	s6 =	sadd.s32 $0x10, s6;
	s20 =	sand.u32 $0x78, s19;
	s7 =	sadd.s32 s8, s7  }
0xe8: {  	p2 =	slt.s32 s6, s23;
	v0 =	vld [tilespmem:s7+$0x0];
	s7 =	smul.u32 $0x204, s20  }
.Ltmp12:
0xe9: {  	_ = 	snop;
	(pc) =	sbr.rel @p2 .LBB1_11-.Ltmp12, $4  }
0xea: {  	_ = 	snop  }
0xeb: {  	s7 =	sshrl.u32 s7, $0x2  }
0xec: {  	s7 =	sadd.s32 s7, s4  }
0xed: {  	s5 =	sadd.s32 $0x80, s5;
	[tilespmem:s7+$0x0 ss:$0x81] =	vst.msk $0xffff, v0  }
.Ltmp13:
0xee: {  	_ = 	snop;
	(pc) =	sbr.rel .LBB1_12-.Ltmp13, $1  }
0xef: {  	_ =	sdelay $0x3  }
.LBB1_16:
0xf0: {  	_ =	sfence.sel $0x180000  }
0xf1: {  	s0 =	simm.s32 $0x1;
	[bflag:$0x0] =	sbarrier.arrive $0xFFFF  }
0xf2: {  	s30 =	simm.s32 $0x2;
	[sflag:s0] =	ssyncpa.u1 $0x1  }
0xf3: {  	[sflag:s30] =	ssyncpa.u1 $0x1  }
0xf4: {  	_ =	strace $0x90000047  }
0xf5: {  	s31 =	stileid.u32;
	[bflag:$0x2] =	sbarrier.arrive $0xFFFF  }
0xf6: {  	p0 =	sne.s32 s31, $0x0;
	s0 =	rddreg [dreg:$0x2]  }
0xf7: {  	s0 =	sadd.s32 @!p0 $0x100000, s0  }
0xf8: {  	[sflag:s0] =	ssyncadd.tile.s32 @!p0 $0x1;
	_ =	shalt  }
.Lfunc_end1:
_tile_overlayer_lowered:
.L_overlay_start_2:
0xf9: {  	(tag) =	ssettag $0x2  }
0xfa: {  	s0 =	rddreg [dreg:$0x0];
	s2 =	stileid.u32  }
0xfb: {  	s1 =	rddreg [dreg:$0x1];
	p0 =	sne.s32 s2, $0x0  }
0xfc: {  	s3 =	rddreg [dreg:$0x2];
	[bflag:$0x3] =	sbarrier.arrive $0xFFFF;
	s2 =	simm.s32 @!p0 $0x1C01  }
0xfd: {  	[timem:s3], [sflag:s2] =	dma.local @!p0 [hbm:s0], s1  }
0xfe: {  	s0 =	simm.s32 @!p0 $0x1  }
0xff: {  	_ =	swait.ge @!p0 [sflag:s0], s1  }
0x100: {  	s1 =	ssub.s32 @!p0 $0x0, s1;
	[sflag:s0] =	ssyncset.done @!p0 $0x0  }
0x101: {  	[sflag:s0] =	ssyncadd.s32 @!p0 s1  }
0x102: {  	[bflag:$0x3] =	sbarrier.arrive $0xFFFF  }
0x103: {  	_ =	shalt  }

</sc_bundles>
